<compile_context>
chip_gen: v7x
topology: tpu7x:2x2x1
jax: 0.10.2.dev20260603
libtpu: 0.0.44.dev20260713+nightly
codegen_flags: <defaults>
</compile_context>

<pallas_src>
import jax
import jax.numpy as jnp
import numpy as np
from jax import lax
from jax.experimental import pallas as pl
from jax.experimental.pallas import tpu as pltpu
from jax.experimental.pallas import tpu_sc as plsc

_P_MASK = 0.2

_N_B, _N_T, _D = 4, 8192, 1024
_ROWS = _N_B * _N_T
_NW = 32
_RPW = _ROWS // _NW
_CHUNK = 64
_NCHUNK = _RPW // _CHUNK

with jax.default_device(jax.devices("cpu")[0]):
    _key = jax.random.key(42)
    _k1, _k2, _k3 = jax.random.split(_key, 3)
    _R1 = np.asarray(jax.random.uniform(_k1, (_ROWS,), dtype=jnp.float32))
    _RB = int(np.asarray(jax.random.randint(_k2, (1,), 0, _N_B))[0])
    _RT = int(np.asarray(jax.random.randint(_k3, (1,), 0, _N_T))[0])
_M_CONST = (_R1 < _P_MASK).reshape(_N_B, _N_T)


def _padded_lists():
    m1 = _R1 < _P_MASK * 0.8
    m2 = (_R1 >= _P_MASK * 0.8) & (_R1 < _P_MASK * 0.9)
    l1, l2 = [], []
    for w in range(_NW):
        lo, hi = w * _RPW, (w + 1) * _RPW
        i1 = np.nonzero(m1[lo:hi])[0] + lo
        i2 = np.nonzero(m2[lo:hi])[0] + lo
        assert len(i1) > 0
        l1.append(i1)
        l2.append(i2)
    g1 = max((len(x) + 15) // 16 for x in l1)
    g2 = max((len(x) + 15) // 16 for x in l2)
    k1g, k2g = g1 * 16, g2 * 16
    I1 = np.zeros((_NW, k1g), np.int32)
    I2 = np.zeros((_NW, k2g), np.int32)
    for w in range(_NW):
        i1, i2 = l1[w], l2[w]
        I1[w, : len(i1)] = i1
        I1[w, len(i1):] = i1[-1]
        I2[w, : len(i2)] = i2
        I2[w, len(i2):] = i1[-1]
    return I1, I2, g1, g2


_I1, _I2, _G1, _G2 = _padded_lists()

_mesh = plsc.VectorSubcoreMesh(core_axis_name="c", subcore_axis_name="s")


def _sc_body(f_hbm, i1_hbm, i2_hbm, z_hbm, t_hbm, out_hbm,
             chunk_v, i1_v, i2_v, z_v, t_v, sem):
    wid = lax.axis_index("s") * 2 + lax.axis_index("c")
    base = wid * _RPW
    pltpu.sync_copy(i1_hbm.at[wid], i1_v)
    pltpu.sync_copy(i2_hbm.at[wid], i2_v)
    pltpu.sync_copy(z_hbm, z_v)
    pltpu.sync_copy(t_hbm, t_v)
    for c in range(_NCHUNK):
        off = base + c * _CHUNK
        pltpu.sync_copy(f_hbm.at[pl.ds(off, _CHUNK), :], chunk_v)
        pltpu.sync_copy(chunk_v, out_hbm.at[pl.ds(off, _CHUNK), :])
    for g in range(_G2):
        idx = i2_v[pl.ds(g * 16, 16)]
        pltpu.async_copy(t_v, out_hbm.at[idx], sem).wait()
    for g in range(_G1):
        idx = i1_v[pl.ds(g * 16, 16)]
        pltpu.async_copy(z_v, out_hbm.at[idx], sem).wait()


def kernel(features):
    n_B, n_T, d = features.shape
    rows = n_B * n_T
    f2 = features.reshape(rows, d)
    random_token = jax.lax.slice(
        features, (_RB, _RT, 0), (_RB + 1, _RT + 1, d)
    ).reshape(1, d)
    zbuf = jnp.zeros((16, d), jnp.float32)
    tbuf = jnp.broadcast_to(random_token, (16, d))

    sc_kernel = pl.kernel(
        _sc_body,
        mesh=_mesh,
        out_type=jax.ShapeDtypeStruct((rows, d), jnp.float32),
        scratch_types=[
            pltpu.VMEM((_CHUNK, d), jnp.float32),
            pltpu.VMEM((_G1 * 16,), jnp.int32),
            pltpu.VMEM((_G2 * 16,), jnp.int32),
            pltpu.VMEM((16, d), jnp.float32),
            pltpu.VMEM((16, d), jnp.float32),
            pltpu.SemaphoreType.DMA,
        ],
    )
    out = sc_kernel(f2, jnp.asarray(_I1), jnp.asarray(_I2), zbuf, tbuf)
    return out.reshape(n_B, n_T, d), jnp.asarray(_M_CONST)

# --- scband reference (transcript-rebuilt; emitter-appended) ---
"""Pipeline reference for scband-mask-tokens-68874095559054 (READ-ONLY COPY).

The authoritative reference and input builder live on the scoring server;
editing this copy changes nothing except your own understanding.
"""

import jax, jax.numpy as jnp
import numpy as np

P_MASK = 0.2
MASK_TOKEN = 0.0


def setup_inputs(seed: int = 0) -> dict:
    key = jax.random.key(seed)
    features = jax.random.normal(key, (4, 8192, 1024), dtype=jnp.float32)
    return {"features": features}


def reference(features):
    n_B, n_T, d = features.shape
    key = jax.random.key(42)
    k1, k2, k3 = jax.random.split(key, 3)
    # torch.rand([n_B, n_T])
    R = jax.random.uniform(k1, (n_B, n_T), dtype=jnp.float32)
    # torch.randint(0, n_B, (1,)), torch.randint(0, n_T, (1,))
    rb = jax.random.randint(k2, (1,), 0, n_B)
    rt = jax.random.randint(k3, (1,), 0, n_T)
    random_token = features[rb[0], rt[0], :]  # gathered token, shape (d,)
    # non-consecutive branch (consecutive_tokens=False)
    M1 = R < P_MASK * 0.8
    M2 = (R >= P_MASK * 0.8) & (R < P_MASK * 0.9)
    M3 = (R >= P_MASK * 0.9) & (R < P_MASK)
    # features[M1] = mask_token  -> masked overwrite-scatter
    out = jnp.where(M1[:, :, None], jnp.float32(MASK_TOKEN), features)
    # features[M2] = random_token -> masked overwrite-scatter with gathered row
    out = jnp.where(M2[:, :, None], random_token[None, None, :], out)
    M = M1 | M2 | M3
    return (out, M)

if __name__ == "__main__":
    import jax
    _d = setup_inputs()
    print(jax.jit(kernel)(*tuple(_d.values())))

</pallas_src>

<mosaic_0001>
#map = affine_map<(d0, d1) -> (0, 0)>
module attributes {stable_mosaic.version = 14 : i64} {
  func.func @_sc_body(%arg0: i32, %arg1: i32, %arg2: memref<32768x1024xf32, #tpu.memory_space<hbm>>, %arg3: memref<32x208xi32, #tpu.memory_space<hbm>>, %arg4: memref<32x32xi32, #tpu.memory_space<hbm>>, %arg5: memref<16x1024xf32, #tpu.memory_space<hbm>>, %arg6: memref<16x1024xf32, #tpu.memory_space<hbm>>, %arg7: memref<32768x1024xf32, #tpu.memory_space<hbm>>, %arg8: memref<64x1024xf32, #tpu.memory_space<vmem>>, %arg9: memref<208xi32, #tpu.memory_space<vmem>>, %arg10: memref<32xi32, #tpu.memory_space<vmem>>, %arg11: memref<16x1024xf32, #tpu.memory_space<vmem>>, %arg12: memref<16x1024xf32, #tpu.memory_space<vmem>>, %arg13: memref<!tpu.dma_semaphore, #tpu.memory_space<semaphore_mem>>) attributes {dimension_semantics = [#tpu.dimension_semantics<core_parallel>, #tpu.dimension_semantics<subcore_parallel>], iteration_bounds = array<i64: 2, 16>, scalar_prefetch = 0 : i64, scratch_operands = 6 : i64, tpu.core_type = #tpu.core_type<sc_vector_subcore>, window_params = [{transform_indices = #map}, {transform_indices = #map}, {transform_indices = #map}, {transform_indices = #map}, {transform_indices = #map}, {transform_indices = #map}]} {
    %mul3A = arith.constant 2 : i32
    %mul3A_0 = arith.muli %arg1, %mul3A : i32
    %add3A = arith.addi %mul3A_0, %arg0 : i32
    %mul3A_1 = arith.constant 1024 : i32
    %mul3A_2 = arith.muli %add3A, %mul3A_1 : i32
    "tpu.region"() ({
      %run_scoped3A = tpu.sem_alloc : memref<!tpu.dma_semaphore, #tpu.memory_space<semaphore_mem>>
      %dma_start3A_167 = arith.constant 0 : i32
      %dma_start3A_168 = tpu.memref_slice %arg3[%add3A, %dma_start3A_167] : memref<32x208xi32, #tpu.memory_space<hbm>> -> memref<1x208xi32, #tpu.memory_space<hbm>>
      %dma_start3A_169 = tpu.memref_squeeze %dma_start3A_168 : memref<1x208xi32, #tpu.memory_space<hbm>> -> memref<208xi32, #tpu.memory_space<hbm>>
      %dma_start3A_170 = arith.constant 0 : i32
      %dma_start3A_171 = tpu.memref_slice %arg3[%add3A, %dma_start3A_170] : memref<32x208xi32, #tpu.memory_space<hbm>> -> memref<1x208xi32, #tpu.memory_space<hbm>>
      %dma_start3A_172 = tpu.memref_squeeze %dma_start3A_171 : memref<1x208xi32, #tpu.memory_space<hbm>> -> memref<208xi32, #tpu.memory_space<hbm>>
      tpu.enqueue_dma source(%dma_start3A_172 : memref<208xi32, #tpu.memory_space<hbm>>) target(%arg9 : memref<208xi32, #tpu.memory_space<vmem>>) target_semaphore(%run_scoped3A : memref<!tpu.dma_semaphore, #tpu.memory_space<semaphore_mem>>)
      %dma_wait3A_173 = arith.constant 0 : i32
      %dma_wait3A_174 = tpu.memref_slice %arg3[%add3A, %dma_wait3A_173] : memref<32x208xi32, #tpu.memory_space<hbm>> -> memref<1x208xi32, #tpu.memory_space<hbm>>
      %dma_wait3A_175 = tpu.memref_squeeze %dma_wait3A_174 : memref<1x208xi32, #tpu.memory_space<hbm>> -> memref<208xi32, #tpu.memory_space<hbm>>
      %dma_wait3A_176 = arith.constant 0 : i32
      %dma_wait3A_177 = tpu.memref_slice %arg3[%add3A, %dma_wait3A_176] : memref<32x208xi32, #tpu.memory_space<hbm>> -> memref<1x208xi32, #tpu.memory_space<hbm>>
      %dma_wait3A_178 = tpu.memref_squeeze %dma_wait3A_177 : memref<1x208xi32, #tpu.memory_space<hbm>> -> memref<208xi32, #tpu.memory_space<hbm>>
      tpu.wait_dma2 semaphore(%run_scoped3A : memref<!tpu.dma_semaphore, #tpu.memory_space<semaphore_mem>>) src(%dma_wait3A_178 : memref<208xi32, #tpu.memory_space<hbm>>) dst(%arg9 : memref<208xi32, #tpu.memory_space<vmem>>)
      tpu.yield
    }) : () -> ()
    "tpu.region"() ({
      %run_scoped3A = tpu.sem_alloc : memref<!tpu.dma_semaphore, #tpu.memory_space<semaphore_mem>>
      %dma_start3A_167 = arith.constant 0 : i32
      %dma_start3A_168 = tpu.memref_slice %arg4[%add3A, %dma_start3A_167] : memref<32x32xi32, #tpu.memory_space<hbm>> -> memref<1x32xi32, #tpu.memory_space<hbm>>
      %dma_start3A_169 = tpu.memref_squeeze %dma_start3A_168 : memref<1x32xi32, #tpu.memory_space<hbm>> -> memref<32xi32, #tpu.memory_space<hbm>>
      %dma_start3A_170 = arith.constant 0 : i32
      %dma_start3A_171 = tpu.memref_slice %arg4[%add3A, %dma_start3A_170] : memref<32x32xi32, #tpu.memory_space<hbm>> -> memref<1x32xi32, #tpu.memory_space<hbm>>
      %dma_start3A_172 = tpu.memref_squeeze %dma_start3A_171 : memref<1x32xi32, #tpu.memory_space<hbm>> -> memref<32xi32, #tpu.memory_space<hbm>>
      tpu.enqueue_dma source(%dma_start3A_172 : memref<32xi32, #tpu.memory_space<hbm>>) target(%arg10 : memref<32xi32, #tpu.memory_space<vmem>>) target_semaphore(%run_scoped3A : memref<!tpu.dma_semaphore, #tpu.memory_space<semaphore_mem>>)
      %dma_wait3A_173 = arith.constant 0 : i32
      %dma_wait3A_174 = tpu.memref_slice %arg4[%add3A, %dma_wait3A_173] : memref<32x32xi32, #tpu.memory_space<hbm>> -> memref<1x32xi32, #tpu.memory_space<hbm>>
      %dma_wait3A_175 = tpu.memref_squeeze %dma_wait3A_174 : memref<1x32xi32, #tpu.memory_space<hbm>> -> memref<32xi32, #tpu.memory_space<hbm>>
      %dma_wait3A_176 = arith.constant 0 : i32
      %dma_wait3A_177 = tpu.memref_slice %arg4[%add3A, %dma_wait3A_176] : memref<32x32xi32, #tpu.memory_space<hbm>> -> memref<1x32xi32, #tpu.memory_space<hbm>>
      %dma_wait3A_178 = tpu.memref_squeeze %dma_wait3A_177 : memref<1x32xi32, #tpu.memory_space<hbm>> -> memref<32xi32, #tpu.memory_space<hbm>>
      tpu.wait_dma2 semaphore(%run_scoped3A : memref<!tpu.dma_semaphore, #tpu.memory_space<semaphore_mem>>) src(%dma_wait3A_178 : memref<32xi32, #tpu.memory_space<hbm>>) dst(%arg10 : memref<32xi32, #tpu.memory_space<vmem>>)
      tpu.yield
    }) : () -> ()
    "tpu.region"() ({
      %run_scoped3A = tpu.sem_alloc : memref<!tpu.dma_semaphore, #tpu.memory_space<semaphore_mem>>
      tpu.enqueue_dma source(%arg5 : memref<16x1024xf32, #tpu.memory_space<hbm>>) target(%arg11 : memref<16x1024xf32, #tpu.memory_space<vmem>>) target_semaphore(%run_scoped3A : memref<!tpu.dma_semaphore, #tpu.memory_space<semaphore_mem>>)
      tpu.wait_dma2 semaphore(%run_scoped3A : memref<!tpu.dma_semaphore, #tpu.memory_space<semaphore_mem>>) src(%arg5 : memref<16x1024xf32, #tpu.memory_space<hbm>>) dst(%arg11 : memref<16x1024xf32, #tpu.memory_space<vmem>>)
      tpu.yield
    }) : () -> ()
    "tpu.region"() ({
      %run_scoped3A = tpu.sem_alloc : memref<!tpu.dma_semaphore, #tpu.memory_space<semaphore_mem>>
      tpu.enqueue_dma source(%arg6 : memref<16x1024xf32, #tpu.memory_space<hbm>>) target(%arg12 : memref<16x1024xf32, #tpu.memory_space<vmem>>) target_semaphore(%run_scoped3A : memref<!tpu.dma_semaphore, #tpu.memory_space<semaphore_mem>>)
      tpu.wait_dma2 semaphore(%run_scoped3A : memref<!tpu.dma_semaphore, #tpu.memory_space<semaphore_mem>>) src(%arg6 : memref<16x1024xf32, #tpu.memory_space<hbm>>) dst(%arg12 : memref<16x1024xf32, #tpu.memory_space<vmem>>)
      tpu.yield
    }) : () -> ()
    %add3A_3 = arith.constant 0 : i32
    %add3A_4 = arith.addi %mul3A_2, %add3A_3 : i32
    "tpu.region"() ({
      %run_scoped3A = tpu.sem_alloc : memref<!tpu.dma_semaphore, #tpu.memory_space<semaphore_mem>>
      %dma_start3A_167 = arith.constant 0 : i32
      %dma_start3A_168 = tpu.memref_slice %arg2[%add3A_4, %dma_start3A_167] : memref<32768x1024xf32, #tpu.memory_space<hbm>> -> memref<64x1024xf32, #tpu.memory_space<hbm>>
      %dma_start3A_169 = arith.constant 0 : i32
      %dma_start3A_170 = tpu.memref_slice %arg2[%add3A_4, %dma_start3A_169] : memref<32768x1024xf32, #tpu.memory_space<hbm>> -> memref<64x1024xf32, #tpu.memory_space<hbm>>
      tpu.enqueue_dma source(%dma_start3A_170 : memref<64x1024xf32, #tpu.memory_space<hbm>>) target(%arg8 : memref<64x1024xf32, #tpu.memory_space<vmem>>) target_semaphore(%run_scoped3A : memref<!tpu.dma_semaphore, #tpu.memory_space<semaphore_mem>>)
      %dma_wait3A_171 = arith.constant 0 : i32
      %dma_wait3A_172 = tpu.memref_slice %arg2[%add3A_4, %dma_wait3A_171] : memref<32768x1024xf32, #tpu.memory_space<hbm>> -> memref<64x1024xf32, #tpu.memory_space<hbm>>
      %dma_wait3A_173 = arith.constant 0 : i32
      %dma_wait3A_174 = tpu.memref_slice %arg2[%add3A_4, %dma_wait3A_173] : memref<32768x1024xf32, #tpu.memory_space<hbm>> -> memref<64x1024xf32, #tpu.memory_space<hbm>>
      tpu.wait_dma2 semaphore(%run_scoped3A : memref<!tpu.dma_semaphore, #tpu.memory_space<semaphore_mem>>) src(%dma_wait3A_174 : memref<64x1024xf32, #tpu.memory_space<hbm>>) dst(%arg8 : memref<64x1024xf32, #tpu.memory_space<vmem>>)
      tpu.yield
    }) : () -> ()
    "tpu.region"() ({
      %run_scoped3A = tpu.sem_alloc : memref<!tpu.dma_semaphore, #tpu.memory_space<semaphore_mem>>
      %dma_start3A_167 = arith.constant 0 : i32
      %dma_start3A_168 = tpu.memref_slice %arg7[%add3A_4, %dma_start3A_167] : memref<32768x1024xf32, #tpu.memory_space<hbm>> -> memref<64x1024xf32, #tpu.memory_space<hbm>>
      %dma_start3A_169 = arith.constant 0 : i32
      %dma_start3A_170 = tpu.memref_slice %arg7[%add3A_4, %dma_start3A_169] : memref<32768x1024xf32, #tpu.memory_space<hbm>> -> memref<64x1024xf32, #tpu.memory_space<hbm>>
      tpu.enqueue_dma source(%arg8 : memref<64x1024xf32, #tpu.memory_space<vmem>>) target(%dma_start3A_170 : memref<64x1024xf32, #tpu.memory_space<hbm>>) target_semaphore(%run_scoped3A : memref<!tpu.dma_semaphore, #tpu.memory_space<semaphore_mem>>)
      %dma_wait3A_171 = arith.constant 0 : i32
      %dma_wait3A_172 = tpu.memref_slice %arg7[%add3A_4, %dma_wait3A_171] : memref<32768x1024xf32, #tpu.memory_space<hbm>> -> memref<64x1024xf32, #tpu.memory_space<hbm>>
      %dma_wait3A_173 = arith.constant 0 : i32
      %dma_wait3A_174 = tpu.memref_slice %arg7[%add3A_4, %dma_wait3A_173] : memref<32768x1024xf32, #tpu.memory_space<hbm>> -> memref<64x1024xf32, #tpu.memory_space<hbm>>
      tpu.wait_dma2 semaphore(%run_scoped3A : memref<!tpu.dma_semaphore, #tpu.memory_space<semaphore_mem>>) src(%arg8 : memref<64x1024xf32, #tpu.memory_space<vmem>>) dst(%dma_wait3A_174 : memref<64x1024xf32, #tpu.memory_space<hbm>>)
      tpu.yield
    }) : () -> ()
    %add3A_5 = arith.constant 64 : i32
    %add3A_6 = arith.addi %mul3A_2, %add3A_5 : i32
    "tpu.region"() ({
      %run_scoped3A = tpu.sem_alloc : memref<!tpu.dma_semaphore, #tpu.memory_space<semaphore_mem>>
      %dma_start3A_167 = arith.constant 0 : i32
      %dma_start3A_168 = tpu.memref_slice %arg2[%add3A_6, %dma_start3A_167] : memref<32768x1024xf32, #tpu.memory_space<hbm>> -> memref<64x1024xf32, #tpu.memory_space<hbm>>
      %dma_start3A_169 = arith.constant 0 : i32
      %dma_start3A_170 = tpu.memref_slice %arg2[%add3A_6, %dma_start3A_169] : memref<32768x1024xf32, #tpu.memory_space<hbm>> -> memref<64x1024xf32, #tpu.memory_space<hbm>>
      tpu.enqueue_dma source(%dma_start3A_170 : memref<64x1024xf32, #tpu.memory_space<hbm>>) target(%arg8 : memref<64x1024xf32, #tpu.memory_space<vmem>>) target_semaphore(%run_scoped3A : memref<!tpu.dma_semaphore, #tpu.memory_space<semaphore_mem>>)
      %dma_wait3A_171 = arith.constant 0 : i32
      %dma_wait3A_172 = tpu.memref_slice %arg2[%add3A_6, %dma_wait3A_171] : memref<32768x1024xf32, #tpu.memory_space<hbm>> -> memref<64x1024xf32, #tpu.memory_space<hbm>>
      %dma_wait3A_173 = arith.constant 0 : i32
      %dma_wait3A_174 = tpu.memref_slice %arg2[%add3A_6, %dma_wait3A_173] : memref<32768x1024xf32, #tpu.memory_space<hbm>> -> memref<64x1024xf32, #tpu.memory_space<hbm>>
      tpu.wait_dma2 semaphore(%run_scoped3A : memref<!tpu.dma_semaphore, #tpu.memory_space<semaphore_mem>>) src(%dma_wait3A_174 : memref<64x1024xf32, #tpu.memory_space<hbm>>) dst(%arg8 : memref<64x1024xf32, #tpu.memory_space<vmem>>)
      tpu.yield
    }) : () -> ()
    "tpu.region"() ({
      %run_scoped3A = tpu.sem_alloc : memref<!tpu.dma_semaphore, #tpu.memory_space<semaphore_mem>>
      %dma_start3A_167 = arith.constant 0 : i32
      %dma_start3A_168 = tpu.memref_slice %arg7[%add3A_6, %dma_start3A_167] : memref<32768x1024xf32, #tpu.memory_space<hbm>> -> memref<64x1024xf32, #tpu.memory_space<hbm>>
      %dma_start3A_169 = arith.constant 0 : i32
      %dma_start3A_170 = tpu.memref_slice %arg7[%add3A_6, %dma_start3A_169] : memref<32768x1024xf32, #tpu.memory_space<hbm>> -> memref<64x1024xf32, #tpu.memory_space<hbm>>
      tpu.enqueue_dma source(%arg8 : memref<64x1024xf32, #tpu.memory_space<vmem>>) target(%dma_start3A_170 : memref<64x1024xf32, #tpu.memory_space<hbm>>) target_semaphore(%run_scoped3A : memref<!tpu.dma_semaphore, #tpu.memory_space<semaphore_mem>>)
      %dma_wait3A_171 = arith.constant 0 : i32
      %dma_wait3A_172 = tpu.memref_slice %arg7[%add3A_6, %dma_wait3A_171] : memref<32768x1024xf32, #tpu.memory_space<hbm>> -> memref<64x1024xf32, #tpu.memory_space<hbm>>
      %dma_wait3A_173 = arith.constant 0 : i32
      %dma_wait3A_174 = tpu.memref_slice %arg7[%add3A_6, %dma_wait3A_173] : memref<32768x1024xf32, #tpu.memory_space<hbm>> -> memref<64x1024xf32, #tpu.memory_space<hbm>>
      tpu.wait_dma2 semaphore(%run_scoped3A : memref<!tpu.dma_semaphore, #tpu.memory_space<semaphore_mem>>) src(%arg8 : memref<64x1024xf32, #tpu.memory_space<vmem>>) dst(%dma_wait3A_174 : memref<64x1024xf32, #tpu.memory_space<hbm>>)
      tpu.yield
    }) : () -> ()
    %add3A_7 = arith.constant 128 : i32
    %add3A_8 = arith.addi %mul3A_2, %add3A_7 : i32
    "tpu.region"() ({
      %run_scoped3A = tpu.sem_alloc : memref<!tpu.dma_semaphore, #tpu.memory_space<semaphore_mem>>
      %dma_start3A_167 = arith.constant 0 : i32
      %dma_start3A_168 = tpu.memref_slice %arg2[%add3A_8, %dma_start3A_167] : memref<32768x1024xf32, #tpu.memory_space<hbm>> -> memref<64x1024xf32, #tpu.memory_space<hbm>>
      %dma_start3A_169 = arith.constant 0 : i32
      %dma_start3A_170 = tpu.memref_slice %arg2[%add3A_8, %dma_start3A_169] : memref<32768x1024xf32, #tpu.memory_space<hbm>> -> memref<64x1024xf32, #tpu.memory_space<hbm>>
      tpu.enqueue_dma source(%dma_start3A_170 : memref<64x1024xf32, #tpu.memory_space<hbm>>) target(%arg8 : memref<64x1024xf32, #tpu.memory_space<vmem>>) target_semaphore(%run_scoped3A : memref<!tpu.dma_semaphore, #tpu.memory_space<semaphore_mem>>)
      %dma_wait3A_171 = arith.constant 0 : i32
      %dma_wait3A_172 = tpu.memref_slice %arg2[%add3A_8, %dma_wait3A_171] : memref<32768x1024xf32, #tpu.memory_space<hbm>> -> memref<64x1024xf32, #tpu.memory_space<hbm>>
      %dma_wait3A_173 = arith.constant 0 : i32
      %dma_wait3A_174 = tpu.memref_slice %arg2[%add3A_8, %dma_wait3A_173] : memref<32768x1024xf32, #tpu.memory_space<hbm>> -> memref<64x1024xf32, #tpu.memory_space<hbm>>
      tpu.wait_dma2 semaphore(%run_scoped3A : memref<!tpu.dma_semaphore, #tpu.memory_space<semaphore_mem>>) src(%dma_wait3A_174 : memref<64x1024xf32, #tpu.memory_space<hbm>>) dst(%arg8 : memref<64x1024xf32, #tpu.memory_space<vmem>>)
      tpu.yield
    }) : () -> ()
    "tpu.region"() ({
      %run_scoped3A = tpu.sem_alloc : memref<!tpu.dma_semaphore, #tpu.memory_space<semaphore_mem>>
      %dma_start3A_167 = arith.constant 0 : i32
      %dma_start3A_168 = tpu.memref_slice %arg7[%add3A_8, %dma_start3A_167] : memref<32768x1024xf32, #tpu.memory_space<hbm>> -> memref<64x1024xf32, #tpu.memory_space<hbm>>
      %dma_start3A_169 = arith.constant 0 : i32
      %dma_start3A_170 = tpu.memref_slice %arg7[%add3A_8, %dma_start3A_169] : memref<32768x1024xf32, #tpu.memory_space<hbm>> -> memref<64x1024xf32, #tpu.memory_space<hbm>>
      tpu.enqueue_dma source(%arg8 : memref<64x1024xf32, #tpu.memory_space<vmem>>) target(%dma_start3A_170 : memref<64x1024xf32, #tpu.memory_space<hbm>>) target_semaphore(%run_scoped3A : memref<!tpu.dma_semaphore, #tpu.memory_space<semaphore_mem>>)
      %dma_wait3A_171 = arith.constant 0 : i32
      %dma_wait3A_172 = tpu.memref_slice %arg7[%add3A_8, %dma_wait3A_171] : memref<32768x1024xf32, #tpu.memory_space<hbm>> -> memref<64x1024xf32, #tpu.memory_space<hbm>>
      %dma_wait3A_173 = arith.constant 0 : i32
      %dma_wait3A_174 = tpu.memref_slice %arg7[%add3A_8, %dma_wait3A_173] : memref<32768x1024xf32, #tpu.memory_space<hbm>> -> memref<64x1024xf32, #tpu.memory_space<hbm>>
      tpu.wait_dma2 semaphore(%run_scoped3A : memref<!tpu.dma_semaphore, #tpu.memory_space<semaphore_mem>>) src(%arg8 : memref<64x1024xf32, #tpu.memory_space<vmem>>) dst(%dma_wait3A_174 : memref<64x1024xf32, #tpu.memory_space<hbm>>)
      tpu.yield
    }) : () -> ()
    %add3A_9 = arith.constant 192 : i32
    %add3A_10 = arith.addi %mul3A_2, %add3A_9 : i32
    "tpu.region"() ({
      %run_scoped3A = tpu.sem_alloc : memref<!tpu.dma_semaphore, #tpu.memory_space<semaphore_mem>>
      %dma_start3A_167 = arith.constant 0 : i32
      %dma_start3A_168 = tpu.memref_slice %arg2[%add3A_10, %dma_start3A_167] : memref<32768x1024xf32, #tpu.memory_space<hbm>> -> memref<64x1024xf32, #tpu.memory_space<hbm>>
      %dma_start3A_169 = arith.constant 0 : i32
      %dma_start3A_170 = tpu.memref_slice %arg2[%add3A_10, %dma_start3A_169] : memref<32768x1024xf32, #tpu.memory_space<hbm>> -> memref<64x1024xf32, #tpu.memory_space<hbm>>
      tpu.enqueue_dma source(%dma_start3A_170 : memref<64x1024xf32, #tpu.memory_space<hbm>>) target(%arg8 : memref<64x1024xf32, #tpu.memory_space<vmem>>) target_semaphore(%run_scoped3A : memref<!tpu.dma_semaphore, #tpu.memory_space<semaphore_mem>>)
      %dma_wait3A_171 = arith.constant 0 : i32
      %dma_wait3A_172 = tpu.memref_slice %arg2[%add3A_10, %dma_wait3A_171] : memref<32768x1024xf32, #tpu.memory_space<hbm>> -> memref<64x1024xf32, #tpu.memory_space<hbm>>
      %dma_wait3A_173 = arith.constant 0 : i32
      %dma_wait3A_174 = tpu.memref_slice %arg2[%add3A_10, %dma_wait3A_173] : memref<32768x1024xf32, #tpu.memory_space<hbm>> -> memref<64x1024xf32, #tpu.memory_space<hbm>>
      tpu.wait_dma2 semaphore(%run_scoped3A : memref<!tpu.dma_semaphore, #tpu.memory_space<semaphore_mem>>) src(%dma_wait3A_174 : memref<64x1024xf32, #tpu.memory_space<hbm>>) dst(%arg8 : memref<64x1024xf32, #tpu.memory_space<vmem>>)
      tpu.yield
    }) : () -> ()
    "tpu.region"() ({
      %run_scoped3A = tpu.sem_alloc : memref<!tpu.dma_semaphore, #tpu.memory_space<semaphore_mem>>
      %dma_start3A_167 = arith.constant 0 : i32
      %dma_start3A_168 = tpu.memref_slice %arg7[%add3A_10, %dma_start3A_167] : memref<32768x1024xf32, #tpu.memory_space<hbm>> -> memref<64x1024xf32, #tpu.memory_space<hbm>>
      %dma_start3A_169 = arith.constant 0 : i32
      %dma_start3A_170 = tpu.memref_slice %arg7[%add3A_10, %dma_start3A_169] : memref<32768x1024xf32, #tpu.memory_space<hbm>> -> memref<64x1024xf32, #tpu.memory_space<hbm>>
      tpu.enqueue_dma source(%arg8 : memref<64x1024xf32, #tpu.memory_space<vmem>>) target(%dma_start3A_170 : memref<64x1024xf32, #tpu.memory_space<hbm>>) target_semaphore(%run_scoped3A : memref<!tpu.dma_semaphore, #tpu.memory_space<semaphore_mem>>)
      %dma_wait3A_171 = arith.constant 0 : i32
      %dma_wait3A_172 = tpu.memref_slice %arg7[%add3A_10, %dma_wait3A_171] : memref<32768x1024xf32, #tpu.memory_space<hbm>> -> memref<64x1024xf32, #tpu.memory_space<hbm>>
      %dma_wait3A_173 = arith.constant 0 : i32
      %dma_wait3A_174 = tpu.memref_slice %arg7[%add3A_10, %dma_wait3A_173] : memref<32768x1024xf32, #tpu.memory_space<hbm>> -> memref<64x1024xf32, #tpu.memory_space<hbm>>
      tpu.wait_dma2 semaphore(%run_scoped3A : memref<!tpu.dma_semaphore, #tpu.memory_space<semaphore_mem>>) src(%arg8 : memref<64x1024xf32, #tpu.memory_space<vmem>>) dst(%dma_wait3A_174 : memref<64x1024xf32, #tpu.memory_space<hbm>>)
      tpu.yield
    }) : () -> ()
    %add3A_11 = arith.constant 256 : i32
    %add3A_12 = arith.addi %mul3A_2, %add3A_11 : i32
    "tpu.region"() ({
      %run_scoped3A = tpu.sem_alloc : memref<!tpu.dma_semaphore, #tpu.memory_space<semaphore_mem>>
      %dma_start3A_167 = arith.constant 0 : i32
      %dma_start3A_168 = tpu.memref_slice %arg2[%add3A_12, %dma_start3A_167] : memref<32768x1024xf32, #tpu.memory_space<hbm>> -> memref<64x1024xf32, #tpu.memory_space<hbm>>
      %dma_start3A_169 = arith.constant 0 : i32
      %dma_start3A_170 = tpu.memref_slice %arg2[%add3A_12, %dma_start3A_169] : memref<32768x1024xf32, #tpu.memory_space<hbm>> -> memref<64x1024xf32, #tpu.memory_space<hbm>>
      tpu.enqueue_dma source(%dma_start3A_170 : memref<64x1024xf32, #tpu.memory_space<hbm>>) target(%arg8 : memref<64x1024xf32, #tpu.memory_space<vmem>>) target_semaphore(%run_scoped3A : memref<!tpu.dma_semaphore, #tpu.memory_space<semaphore_mem>>)
      %dma_wait3A_171 = arith.constant 0 : i32
      %dma_wait3A_172 = tpu.memref_slice %arg2[%add3A_12, %dma_wait3A_171] : memref<32768x1024xf32, #tpu.memory_space<hbm>> -> memref<64x1024xf32, #tpu.memory_space<hbm>>
      %dma_wait3A_173 = arith.constant 0 : i32
      %dma_wait3A_174 = tpu.memref_slice %arg2[%add3A_12, %dma_wait3A_173] : memref<32768x1024xf32, #tpu.memory_space<hbm>> -> memref<64x1024xf32, #tpu.memory_space<hbm>>
      tpu.wait_dma2 semaphore(%run_scoped3A : memref<!tpu.dma_semaphore, #tpu.memory_space<semaphore_mem>>) src(%dma_wait3A_174 : memref<64x1024xf32, #tpu.memory_space<hbm>>) dst(%arg8 : memref<64x1024xf32, #tpu.memory_space<vmem>>)
      tpu.yield
    }) : () -> ()
    "tpu.region"() ({
      %run_scoped3A = tpu.sem_alloc : memref<!tpu.dma_semaphore, #tpu.memory_space<semaphore_mem>>
      %dma_start3A_167 = arith.constant 0 : i32
      %dma_start3A_168 = tpu.memref_slice %arg7[%add3A_12, %dma_start3A_167] : memref<32768x1024xf32, #tpu.memory_space<hbm>> -> memref<64x1024xf32, #tpu.memory_space<hbm>>
      %dma_start3A_169 = arith.constant 0 : i32
      %dma_start3A_170 = tpu.memref_slice %arg7[%add3A_12, %dma_start3A_169] : memref<32768x1024xf32, #tpu.memory_space<hbm>> -> memref<64x1024xf32, #tpu.memory_space<hbm>>
      tpu.enqueue_dma source(%arg8 : memref<64x1024xf32, #tpu.memory_space<vmem>>) target(%dma_start3A_170 : memref<64x1024xf32, #tpu.memory_space<hbm>>) target_semaphore(%run_scoped3A : memref<!tpu.dma_semaphore, #tpu.memory_space<semaphore_mem>>)
      %dma_wait3A_171 = arith.constant 0 : i32
      %dma_wait3A_172 = tpu.memref_slice %arg7[%add3A_12, %dma_wait3A_171] : memref<32768x1024xf32, #tpu.memory_space<hbm>> -> memref<64x1024xf32, #tpu.memory_space<hbm>>
      %dma_wait3A_173 = arith.constant 0 : i32
      %dma_wait3A_174 = tpu.memref_slice %arg7[%add3A_12, %dma_wait3A_173] : memref<32768x1024xf32, #tpu.memory_space<hbm>> -> memref<64x1024xf32, #tpu.memory_space<hbm>>
      tpu.wait_dma2 semaphore(%run_scoped3A : memref<!tpu.dma_semaphore, #tpu.memory_space<semaphore_mem>>) src(%arg8 : memref<64x1024xf32, #tpu.memory_space<vmem>>) dst(%dma_wait3A_174 : memref<64x1024xf32, #tpu.memory_space<hbm>>)
      tpu.yield
    }) : () -> ()
    %add3A_13 = arith.constant 320 : i32
    %add3A_14 = arith.addi %mul3A_2, %add3A_13 : i32
    "tpu.region"() ({
      %run_scoped3A = tpu.sem_alloc : memref<!tpu.dma_semaphore, #tpu.memory_space<semaphore_mem>>
      %dma_start3A_167 = arith.constant 0 : i32
      %dma_start3A_168 = tpu.memref_slice %arg2[%add3A_14, %dma_start3A_167] : memref<32768x1024xf32, #tpu.memory_space<hbm>> -> memref<64x1024xf32, #tpu.memory_space<hbm>>
      %dma_start3A_169 = arith.constant 0 : i32
      %dma_start3A_170 = tpu.memref_slice %arg2[%add3A_14, %dma_start3A_169] : memref<32768x1024xf32, #tpu.memory_space<hbm>> -> memref<64x1024xf32, #tpu.memory_space<hbm>>
      tpu.enqueue_dma source(%dma_start3A_170 : memref<64x1024xf32, #tpu.memory_space<hbm>>) target(%arg8 : memref<64x1024xf32, #tpu.memory_space<vmem>>) target_semaphore(%run_scoped3A : memref<!tpu.dma_semaphore, #tpu.memory_space<semaphore_mem>>)
      %dma_wait3A_171 = arith.constant 0 : i32
      %dma_wait3A_172 = tpu.memref_slice %arg2[%add3A_14, %dma_wait3A_171] : memref<32768x1024xf32, #tpu.memory_space<hbm>> -> memref<64x1024xf32, #tpu.memory_space<hbm>>
      %dma_wait3A_173 = arith.constant 0 : i32
      %dma_wait3A_174 = tpu.memref_slice %arg2[%add3A_14, %dma_wait3A_173] : memref<32768x1024xf32, #tpu.memory_space<hbm>> -> memref<64x1024xf32, #tpu.memory_space<hbm>>
      tpu.wait_dma2 semaphore(%run_scoped3A : memref<!tpu.dma_semaphore, #tpu.memory_space<semaphore_mem>>) src(%dma_wait3A_174 : memref<64x1024xf32, #tpu.memory_space<hbm>>) dst(%arg8 : memref<64x1024xf32, #tpu.memory_space<vmem>>)
      tpu.yield
    }) : () -> ()
    "tpu.region"() ({
      %run_scoped3A = tpu.sem_alloc : memref<!tpu.dma_semaphore, #tpu.memory_space<semaphore_mem>>
      %dma_start3A_167 = arith.constant 0 : i32
      %dma_start3A_168 = tpu.memref_slice %arg7[%add3A_14, %dma_start3A_167] : memref<32768x1024xf32, #tpu.memory_space<hbm>> -> memref<64x1024xf32, #tpu.memory_space<hbm>>
      %dma_start3A_169 = arith.constant 0 : i32
      %dma_start3A_170 = tpu.memref_slice %arg7[%add3A_14, %dma_start3A_169] : memref<32768x1024xf32, #tpu.memory_space<hbm>> -> memref<64x1024xf32, #tpu.memory_space<hbm>>
      tpu.enqueue_dma source(%arg8 : memref<64x1024xf32, #tpu.memory_space<vmem>>) target(%dma_start3A_170 : memref<64x1024xf32, #tpu.memory_space<hbm>>) target_semaphore(%run_scoped3A : memref<!tpu.dma_semaphore, #tpu.memory_space<semaphore_mem>>)
      %dma_wait3A_171 = arith.constant 0 : i32
      %dma_wait3A_172 = tpu.memref_slice %arg7[%add3A_14, %dma_wait3A_171] : memref<32768x1024xf32, #tpu.memory_space<hbm>> -> memref<64x1024xf32, #tpu.memory_space<hbm>>
      %dma_wait3A_173 = arith.constant 0 : i32
      %dma_wait3A_174 = tpu.memref_slice %arg7[%add3A_14, %dma_wait3A_173] : memref<32768x1024xf32, #tpu.memory_space<hbm>> -> memref<64x1024xf32, #tpu.memory_space<hbm>>
      tpu.wait_dma2 semaphore(%run_scoped3A : memref<!tpu.dma_semaphore, #tpu.memory_space<semaphore_mem>>) src(%arg8 : memref<64x1024xf32, #tpu.memory_space<vmem>>) dst(%dma_wait3A_174 : memref<64x1024xf32, #tpu.memory_space<hbm>>)
      tpu.yield
    }) : () -> ()
    %add3A_15 = arith.constant 384 : i32
    %add3A_16 = arith.addi %mul3A_2, %add3A_15 : i32
    "tpu.region"() ({
      %run_scoped3A = tpu.sem_alloc : memref<!tpu.dma_semaphore, #tpu.memory_space<semaphore_mem>>
      %dma_start3A_167 = arith.constant 0 : i32
      %dma_start3A_168 = tpu.memref_slice %arg2[%add3A_16, %dma_start3A_167] : memref<32768x1024xf32, #tpu.memory_space<hbm>> -> memref<64x1024xf32, #tpu.memory_space<hbm>>
      %dma_start3A_169 = arith.constant 0 : i32
      %dma_start3A_170 = tpu.memref_slice %arg2[%add3A_16, %dma_start3A_169] : memref<32768x1024xf32, #tpu.memory_space<hbm>> -> memref<64x1024xf32, #tpu.memory_space<hbm>>
      tpu.enqueue_dma source(%dma_start3A_170 : memref<64x1024xf32, #tpu.memory_space<hbm>>) target(%arg8 : memref<64x1024xf32, #tpu.memory_space<vmem>>) target_semaphore(%run_scoped3A : memref<!tpu.dma_semaphore, #tpu.memory_space<semaphore_mem>>)
      %dma_wait3A_171 = arith.constant 0 : i32
      %dma_wait3A_172 = tpu.memref_slice %arg2[%add3A_16, %dma_wait3A_171] : memref<32768x1024xf32, #tpu.memory_space<hbm>> -> memref<64x1024xf32, #tpu.memory_space<hbm>>
      %dma_wait3A_173 = arith.constant 0 : i32
      %dma_wait3A_174 = tpu.memref_slice %arg2[%add3A_16, %dma_wait3A_173] : memref<32768x1024xf32, #tpu.memory_space<hbm>> -> memref<64x1024xf32, #tpu.memory_space<hbm>>
      tpu.wait_dma2 semaphore(%run_scoped3A : memref<!tpu.dma_semaphore, #tpu.memory_space<semaphore_mem>>) src(%dma_wait3A_174 : memref<64x1024xf32, #tpu.memory_space<hbm>>) dst(%arg8 : memref<64x1024xf32, #tpu.memory_space<vmem>>)
      tpu.yield
    }) : () -> ()
    "tpu.region"() ({
      %run_scoped3A = tpu.sem_alloc : memref<!tpu.dma_semaphore, #tpu.memory_space<semaphore_mem>>
      %dma_start3A_167 = arith.constant 0 : i32
      %dma_start3A_168 = tpu.memref_slice %arg7[%add3A_16, %dma_start3A_167] : memref<32768x1024xf32, #tpu.memory_space<hbm>> -> memref<64x1024xf32, #tpu.memory_space<hbm>>
      %dma_start3A_169 = arith.constant 0 : i32
      %dma_start3A_170 = tpu.memref_slice %arg7[%add3A_16, %dma_start3A_169] : memref<32768x1024xf32, #tpu.memory_space<hbm>> -> memref<64x1024xf32, #tpu.memory_space<hbm>>
      tpu.enqueue_dma source(%arg8 : memref<64x1024xf32, #tpu.memory_space<vmem>>) target(%dma_start3A_170 : memref<64x1024xf32, #tpu.memory_space<hbm>>) target_semaphore(%run_scoped3A : memref<!tpu.dma_semaphore, #tpu.memory_space<semaphore_mem>>)
      %dma_wait3A_171 = arith.constant 0 : i32
      %dma_wait3A_172 = tpu.memref_slice %arg7[%add3A_16, %dma_wait3A_171] : memref<32768x1024xf32, #tpu.memory_space<hbm>> -> memref<64x1024xf32, #tpu.memory_space<hbm>>
      %dma_wait3A_173 = arith.constant 0 : i32
      %dma_wait3A_174 = tpu.memref_slice %arg7[%add3A_16, %dma_wait3A_173] : memref<32768x1024xf32, #tpu.memory_space<hbm>> -> memref<64x1024xf32, #tpu.memory_space<hbm>>
      tpu.wait_dma2 semaphore(%run_scoped3A : memref<!tpu.dma_semaphore, #tpu.memory_space<semaphore_mem>>) src(%arg8 : memref<64x1024xf32, #tpu.memory_space<vmem>>) dst(%dma_wait3A_174 : memref<64x1024xf32, #tpu.memory_space<hbm>>)
      tpu.yield
    }) : () -> ()
    %add3A_17 = arith.constant 448 : i32
    %add3A_18 = arith.addi %mul3A_2, %add3A_17 : i32
    "tpu.region"() ({
      %run_scoped3A = tpu.sem_alloc : memref<!tpu.dma_semaphore, #tpu.memory_space<semaphore_mem>>
      %dma_start3A_167 = arith.constant 0 : i32
      %dma_start3A_168 = tpu.memref_slice %arg2[%add3A_18, %dma_start3A_167] : memref<32768x1024xf32, #tpu.memory_space<hbm>> -> memref<64x1024xf32, #tpu.memory_space<hbm>>
      %dma_start3A_169 = arith.constant 0 : i32
      %dma_start3A_170 = tpu.memref_slice %arg2[%add3A_18, %dma_start3A_169] : memref<32768x1024xf32, #tpu.memory_space<hbm>> -> memref<64x1024xf32, #tpu.memory_space<hbm>>
      tpu.enqueue_dma source(%dma_start3A_170 : memref<64x1024xf32, #tpu.memory_space<hbm>>) target(%arg8 : memref<64x1024xf32, #tpu.memory_space<vmem>>) target_semaphore(%run_scoped3A : memref<!tpu.dma_semaphore, #tpu.memory_space<semaphore_mem>>)
      %dma_wait3A_171 = arith.constant 0 : i32
      %dma_wait3A_172 = tpu.memref_slice %arg2[%add3A_18, %dma_wait3A_171] : memref<32768x1024xf32, #tpu.memory_space<hbm>> -> memref<64x1024xf32, #tpu.memory_space<hbm>>
      %dma_wait3A_173 = arith.constant 0 : i32
      %dma_wait3A_174 = tpu.memref_slice %arg2[%add3A_18, %dma_wait3A_173] : memref<32768x1024xf32, #tpu.memory_space<hbm>> -> memref<64x1024xf32, #tpu.memory_space<hbm>>
      tpu.wait_dma2 semaphore(%run_scoped3A : memref<!tpu.dma_semaphore, #tpu.memory_space<semaphore_mem>>) src(%dma_wait3A_174 : memref<64x1024xf32, #tpu.memory_space<hbm>>) dst(%arg8 : memref<64x1024xf32, #tpu.memory_space<vmem>>)
      tpu.yield
    }) : () -> ()
    "tpu.region"() ({
      %run_scoped3A = tpu.sem_alloc : memref<!tpu.dma_semaphore, #tpu.memory_space<semaphore_mem>>
      %dma_start3A_167 = arith.constant 0 : i32
      %dma_start3A_168 = tpu.memref_slice %arg7[%add3A_18, %dma_start3A_167] : memref<32768x1024xf32, #tpu.memory_space<hbm>> -> memref<64x1024xf32, #tpu.memory_space<hbm>>
      %dma_start3A_169 = arith.constant 0 : i32
      %dma_start3A_170 = tpu.memref_slice %arg7[%add3A_18, %dma_start3A_169] : memref<32768x1024xf32, #tpu.memory_space<hbm>> -> memref<64x1024xf32, #tpu.memory_space<hbm>>
      tpu.enqueue_dma source(%arg8 : memref<64x1024xf32, #tpu.memory_space<vmem>>) target(%dma_start3A_170 : memref<64x1024xf32, #tpu.memory_space<hbm>>) target_semaphore(%run_scoped3A : memref<!tpu.dma_semaphore, #tpu.memory_space<semaphore_mem>>)
      %dma_wait3A_171 = arith.constant 0 : i32
      %dma_wait3A_172 = tpu.memref_slice %arg7[%add3A_18, %dma_wait3A_171] : memref<32768x1024xf32, #tpu.memory_space<hbm>> -> memref<64x1024xf32, #tpu.memory_space<hbm>>
      %dma_wait3A_173 = arith.constant 0 : i32
      %dma_wait3A_174 = tpu.memref_slice %arg7[%add3A_18, %dma_wait3A_173] : memref<32768x1024xf32, #tpu.memory_space<hbm>> -> memref<64x1024xf32, #tpu.memory_space<hbm>>
      tpu.wait_dma2 semaphore(%run_scoped3A : memref<!tpu.dma_semaphore, #tpu.memory_space<semaphore_mem>>) src(%arg8 : memref<64x1024xf32, #tpu.memory_space<vmem>>) dst(%dma_wait3A_174 : memref<64x1024xf32, #tpu.memory_space<hbm>>)
      tpu.yield
    }) : () -> ()
    %add3A_19 = arith.constant 512 : i32
    %add3A_20 = arith.addi %mul3A_2, %add3A_19 : i32
    "tpu.region"() ({
      %run_scoped3A = tpu.sem_alloc : memref<!tpu.dma_semaphore, #tpu.memory_space<semaphore_mem>>
      %dma_start3A_167 = arith.constant 0 : i32
      %dma_start3A_168 = tpu.memref_slice %arg2[%add3A_20, %dma_start3A_167] : memref<32768x1024xf32, #tpu.memory_space<hbm>> -> memref<64x1024xf32, #tpu.memory_space<hbm>>
      %dma_start3A_169 = arith.constant 0 : i32
      %dma_start3A_170 = tpu.memref_slice %arg2[%add3A_20, %dma_start3A_169] : memref<32768x1024xf32, #tpu.memory_space<hbm>> -> memref<64x1024xf32, #tpu.memory_space<hbm>>
      tpu.enqueue_dma source(%dma_start3A_170 : memref<64x1024xf32, #tpu.memory_space<hbm>>) target(%arg8 : memref<64x1024xf32, #tpu.memory_space<vmem>>) target_semaphore(%run_scoped3A : memref<!tpu.dma_semaphore, #tpu.memory_space<semaphore_mem>>)
      %dma_wait3A_171 = arith.constant 0 : i32
      %dma_wait3A_172 = tpu.memref_slice %arg2[%add3A_20, %dma_wait3A_171] : memref<32768x1024xf32, #tpu.memory_space<hbm>> -> memref<64x1024xf32, #tpu.memory_space<hbm>>
      %dma_wait3A_173 = arith.constant 0 : i32
      %dma_wait3A_174 = tpu.memref_slice %arg2[%add3A_20, %dma_wait3A_173] : memref<32768x1024xf32, #tpu.memory_space<hbm>> -> memref<64x1024xf32, #tpu.memory_space<hbm>>
      tpu.wait_dma2 semaphore(%run_scoped3A : memref<!tpu.dma_semaphore, #tpu.memory_space<semaphore_mem>>) src(%dma_wait3A_174 : memref<64x1024xf32, #tpu.memory_space<hbm>>) dst(%arg8 : memref<64x1024xf32, #tpu.memory_space<vmem>>)
      tpu.yield
    }) : () -> ()
    "tpu.region"() ({
      %run_scoped3A = tpu.sem_alloc : memref<!tpu.dma_semaphore, #tpu.memory_space<semaphore_mem>>
      %dma_start3A_167 = arith.constant 0 : i32
      %dma_start3A_168 = tpu.memref_slice %arg7[%add3A_20, %dma_start3A_167] : memref<32768x1024xf32, #tpu.memory_space<hbm>> -> memref<64x1024xf32, #tpu.memory_space<hbm>>
      %dma_start3A_169 = arith.constant 0 : i32
      %dma_start3A_170 = tpu.memref_slice %arg7[%add3A_20, %dma_start3A_169] : memref<32768x1024xf32, #tpu.memory_space<hbm>> -> memref<64x1024xf32, #tpu.memory_space<hbm>>
      tpu.enqueue_dma source(%arg8 : memref<64x1024xf32, #tpu.memory_space<vmem>>) target(%dma_start3A_170 : memref<64x1024xf32, #tpu.memory_space<hbm>>) target_semaphore(%run_scoped3A : memref<!tpu.dma_semaphore, #tpu.memory_space<semaphore_mem>>)
      %dma_wait3A_171 = arith.constant 0 : i32
      %dma_wait3A_172 = tpu.memref_slice %arg7[%add3A_20, %dma_wait3A_171] : memref<32768x1024xf32, #tpu.memory_space<hbm>> -> memref<64x1024xf32, #tpu.memory_space<hbm>>
      %dma_wait3A_173 = arith.constant 0 : i32
      %dma_wait3A_174 = tpu.memref_slice %arg7[%add3A_20, %dma_wait3A_173] : memref<32768x1024xf32, #tpu.memory_space<hbm>> -> memref<64x1024xf32, #tpu.memory_space<hbm>>
      tpu.wait_dma2 semaphore(%run_scoped3A : memref<!tpu.dma_semaphore, #tpu.memory_space<semaphore_mem>>) src(%arg8 : memref<64x1024xf32, #tpu.memory_space<vmem>>) dst(%dma_wait3A_174 : memref<64x1024xf32, #tpu.memory_space<hbm>>)
      tpu.yield
    }) : () -> ()
    %add3A_21 = arith.constant 576 : i32
    %add3A_22 = arith.addi %mul3A_2, %add3A_21 : i32
    "tpu.region"() ({
      %run_scoped3A = tpu.sem_alloc : memref<!tpu.dma_semaphore, #tpu.memory_space<semaphore_mem>>
      %dma_start3A_167 = arith.constant 0 : i32
      %dma_start3A_168 = tpu.memref_slice %arg2[%add3A_22, %dma_start3A_167] : memref<32768x1024xf32, #tpu.memory_space<hbm>> -> memref<64x1024xf32, #tpu.memory_space<hbm>>
      %dma_start3A_169 = arith.constant 0 : i32
      %dma_start3A_170 = tpu.memref_slice %arg2[%add3A_22, %dma_start3A_169] : memref<32768x1024xf32, #tpu.memory_space<hbm>> -> memref<64x1024xf32, #tpu.memory_space<hbm>>
      tpu.enqueue_dma source(%dma_start3A_170 : memref<64x1024xf32, #tpu.memory_space<hbm>>) target(%arg8 : memref<64x1024xf32, #tpu.memory_space<vmem>>) target_semaphore(%run_scoped3A : memref<!tpu.dma_semaphore, #tpu.memory_space<semaphore_mem>>)
      %dma_wait3A_171 = arith.constant 0 : i32
      %dma_wait3A_172 = tpu.memref_slice %arg2[%add3A_22, %dma_wait3A_171] : memref<32768x1024xf32, #tpu.memory_space<hbm>> -> memref<64x1024xf32, #tpu.memory_space<hbm>>
      %dma_wait3A_173 = arith.constant 0 : i32
      %dma_wait3A_174 = tpu.memref_slice %arg2[%add3A_22, %dma_wait3A_173] : memref<32768x1024xf32, #tpu.memory_space<hbm>> -> memref<64x1024xf32, #tpu.memory_space<hbm>>
      tpu.wait_dma2 semaphore(%run_scoped3A : memref<!tpu.dma_semaphore, #tpu.memory_space<semaphore_mem>>) src(%dma_wait3A_174 : memref<64x1024xf32, #tpu.memory_space<hbm>>) dst(%arg8 : memref<64x1024xf32, #tpu.memory_space<vmem>>)
      tpu.yield
    }) : () -> ()
    "tpu.region"() ({
      %run_scoped3A = tpu.sem_alloc : memref<!tpu.dma_semaphore, #tpu.memory_space<semaphore_mem>>
      %dma_start3A_167 = arith.constant 0 : i32
      %dma_start3A_168 = tpu.memref_slice %arg7[%add3A_22, %dma_start3A_167] : memref<32768x1024xf32, #tpu.memory_space<hbm>> -> memref<64x1024xf32, #tpu.memory_space<hbm>>
      %dma_start3A_169 = arith.constant 0 : i32
      %dma_start3A_170 = tpu.memref_slice %arg7[%add3A_22, %dma_start3A_169] : memref<32768x1024xf32, #tpu.memory_space<hbm>> -> memref<64x1024xf32, #tpu.memory_space<hbm>>
      tpu.enqueue_dma source(%arg8 : memref<64x1024xf32, #tpu.memory_space<vmem>>) target(%dma_start3A_170 : memref<64x1024xf32, #tpu.memory_space<hbm>>) target_semaphore(%run_scoped3A : memref<!tpu.dma_semaphore, #tpu.memory_space<semaphore_mem>>)
      %dma_wait3A_171 = arith.constant 0 : i32
      %dma_wait3A_172 = tpu.memref_slice %arg7[%add3A_22, %dma_wait3A_171] : memref<32768x1024xf32, #tpu.memory_space<hbm>> -> memref<64x1024xf32, #tpu.memory_space<hbm>>
      %dma_wait3A_173 = arith.constant 0 : i32
      %dma_wait3A_174 = tpu.memref_slice %arg7[%add3A_22, %dma_wait3A_173] : memref<32768x1024xf32, #tpu.memory_space<hbm>> -> memref<64x1024xf32, #tpu.memory_space<hbm>>
      tpu.wait_dma2 semaphore(%run_scoped3A : memref<!tpu.dma_semaphore, #tpu.memory_space<semaphore_mem>>) src(%arg8 : memref<64x1024xf32, #tpu.memory_space<vmem>>) dst(%dma_wait3A_174 : memref<64x1024xf32, #tpu.memory_space<hbm>>)
      tpu.yield
    }) : () -> ()
    %add3A_23 = arith.constant 640 : i32
    %add3A_24 = arith.addi %mul3A_2, %add3A_23 : i32
    "tpu.region"() ({
      %run_scoped3A = tpu.sem_alloc : memref<!tpu.dma_semaphore, #tpu.memory_space<semaphore_mem>>
      %dma_start3A_167 = arith.constant 0 : i32
      %dma_start3A_168 = tpu.memref_slice %arg2[%add3A_24, %dma_start3A_167] : memref<32768x1024xf32, #tpu.memory_space<hbm>> -> memref<64x1024xf32, #tpu.memory_space<hbm>>
      %dma_start3A_169 = arith.constant 0 : i32
      %dma_start3A_170 = tpu.memref_slice %arg2[%add3A_24, %dma_start3A_169] : memref<32768x1024xf32, #tpu.memory_space<hbm>> -> memref<64x1024xf32, #tpu.memory_space<hbm>>
      tpu.enqueue_dma source(%dma_start3A_170 : memref<64x1024xf32, #tpu.memory_space<hbm>>) target(%arg8 : memref<64x1024xf32, #tpu.memory_space<vmem>>) target_semaphore(%run_scoped3A : memref<!tpu.dma_semaphore, #tpu.memory_space<semaphore_mem>>)
      %dma_wait3A_171 = arith.constant 0 : i32
      %dma_wait3A_172 = tpu.memref_slice %arg2[%add3A_24, %dma_wait3A_171] : memref<32768x1024xf32, #tpu.memory_space<hbm>> -> memref<64x1024xf32, #tpu.memory_space<hbm>>
      %dma_wait3A_173 = arith.constant 0 : i32
      %dma_wait3A_174 = tpu.memref_slice %arg2[%add3A_24, %dma_wait3A_173] : memref<32768x1024xf32, #tpu.memory_space<hbm>> -> memref<64x1024xf32, #tpu.memory_space<hbm>>
      tpu.wait_dma2 semaphore(%run_scoped3A : memref<!tpu.dma_semaphore, #tpu.memory_space<semaphore_mem>>) src(%dma_wait3A_174 : memref<64x1024xf32, #tpu.memory_space<hbm>>) dst(%arg8 : memref<64x1024xf32, #tpu.memory_space<vmem>>)
      tpu.yield
    }) : () -> ()
    "tpu.region"() ({
      %run_scoped3A = tpu.sem_alloc : memref<!tpu.dma_semaphore, #tpu.memory_space<semaphore_mem>>
      %dma_start3A_167 = arith.constant 0 : i32
      %dma_start3A_168 = tpu.memref_slice %arg7[%add3A_24, %dma_start3A_167] : memref<32768x1024xf32, #tpu.memory_space<hbm>> -> memref<64x1024xf32, #tpu.memory_space<hbm>>
      %dma_start3A_169 = arith.constant 0 : i32
      %dma_start3A_170 = tpu.memref_slice %arg7[%add3A_24, %dma_start3A_169] : memref<32768x1024xf32, #tpu.memory_space<hbm>> -> memref<64x1024xf32, #tpu.memory_space<hbm>>
      tpu.enqueue_dma source(%arg8 : memref<64x1024xf32, #tpu.memory_space<vmem>>) target(%dma_start3A_170 : memref<64x1024xf32, #tpu.memory_space<hbm>>) target_semaphore(%run_scoped3A : memref<!tpu.dma_semaphore, #tpu.memory_space<semaphore_mem>>)
      %dma_wait3A_171 = arith.constant 0 : i32
      %dma_wait3A_172 = tpu.memref_slice %arg7[%add3A_24, %dma_wait3A_171] : memref<32768x1024xf32, #tpu.memory_space<hbm>> -> memref<64x1024xf32, #tpu.memory_space<hbm>>
      %dma_wait3A_173 = arith.constant 0 : i32
      %dma_wait3A_174 = tpu.memref_slice %arg7[%add3A_24, %dma_wait3A_173] : memref<32768x1024xf32, #tpu.memory_space<hbm>> -> memref<64x1024xf32, #tpu.memory_space<hbm>>
      tpu.wait_dma2 semaphore(%run_scoped3A : memref<!tpu.dma_semaphore, #tpu.memory_space<semaphore_mem>>) src(%arg8 : memref<64x1024xf32, #tpu.memory_space<vmem>>) dst(%dma_wait3A_174 : memref<64x1024xf32, #tpu.memory_space<hbm>>)
      tpu.yield
    }) : () -> ()
    %add3A_25 = arith.constant 704 : i32
    %add3A_26 = arith.addi %mul3A_2, %add3A_25 : i32
    "tpu.region"() ({
      %run_scoped3A = tpu.sem_alloc : memref<!tpu.dma_semaphore, #tpu.memory_space<semaphore_mem>>
      %dma_start3A_167 = arith.constant 0 : i32
      %dma_start3A_168 = tpu.memref_slice %arg2[%add3A_26, %dma_start3A_167] : memref<32768x1024xf32, #tpu.memory_space<hbm>> -> memref<64x1024xf32, #tpu.memory_space<hbm>>
      %dma_start3A_169 = arith.constant 0 : i32
      %dma_start3A_170 = tpu.memref_slice %arg2[%add3A_26, %dma_start3A_169] : memref<32768x1024xf32, #tpu.memory_space<hbm>> -> memref<64x1024xf32, #tpu.memory_space<hbm>>
      tpu.enqueue_dma source(%dma_start3A_170 : memref<64x1024xf32, #tpu.memory_space<hbm>>) target(%arg8 : memref<64x1024xf32, #tpu.memory_space<vmem>>) target_semaphore(%run_scoped3A : memref<!tpu.dma_semaphore, #tpu.memory_space<semaphore_mem>>)
      %dma_wait3A_171 = arith.constant 0 : i32
      %dma_wait3A_172 = tpu.memref_slice %arg2[%add3A_26, %dma_wait3A_171] : memref<32768x1024xf32, #tpu.memory_space<hbm>> -> memref<64x1024xf32, #tpu.memory_space<hbm>>
      %dma_wait3A_173 = arith.constant 0 : i32
      %dma_wait3A_174 = tpu.memref_slice %arg2[%add3A_26, %dma_wait3A_173] : memref<32768x1024xf32, #tpu.memory_space<hbm>> -> memref<64x1024xf32, #tpu.memory_space<hbm>>
      tpu.wait_dma2 semaphore(%run_scoped3A : memref<!tpu.dma_semaphore, #tpu.memory_space<semaphore_mem>>) src(%dma_wait3A_174 : memref<64x1024xf32, #tpu.memory_space<hbm>>) dst(%arg8 : memref<64x1024xf32, #tpu.memory_space<vmem>>)
      tpu.yield
    }) : () -> ()
    "tpu.region"() ({
      %run_scoped3A = tpu.sem_alloc : memref<!tpu.dma_semaphore, #tpu.memory_space<semaphore_mem>>
      %dma_start3A_167 = arith.constant 0 : i32
      %dma_start3A_168 = tpu.memref_slice %arg7[%add3A_26, %dma_start3A_167] : memref<32768x1024xf32, #tpu.memory_space<hbm>> -> memref<64x1024xf32, #tpu.memory_space<hbm>>
      %dma_start3A_169 = arith.constant 0 : i32
      %dma_start3A_170 = tpu.memref_slice %arg7[%add3A_26, %dma_start3A_169] : memref<32768x1024xf32, #tpu.memory_space<hbm>> -> memref<64x1024xf32, #tpu.memory_space<hbm>>
      tpu.enqueue_dma source(%arg8 : memref<64x1024xf32, #tpu.memory_space<vmem>>) target(%dma_start3A_170 : memref<64x1024xf32, #tpu.memory_space<hbm>>) target_semaphore(%run_scoped3A : memref<!tpu.dma_semaphore, #tpu.memory_space<semaphore_mem>>)
      %dma_wait3A_171 = arith.constant 0 : i32
      %dma_wait3A_172 = tpu.memref_slice %arg7[%add3A_26, %dma_wait3A_171] : memref<32768x1024xf32, #tpu.memory_space<hbm>> -> memref<64x1024xf32, #tpu.memory_space<hbm>>
      %dma_wait3A_173 = arith.constant 0 : i32
      %dma_wait3A_174 = tpu.memref_slice %arg7[%add3A_26, %dma_wait3A_173] : memref<32768x1024xf32, #tpu.memory_space<hbm>> -> memref<64x1024xf32, #tpu.memory_space<hbm>>
      tpu.wait_dma2 semaphore(%run_scoped3A : memref<!tpu.dma_semaphore, #tpu.memory_space<semaphore_mem>>) src(%arg8 : memref<64x1024xf32, #tpu.memory_space<vmem>>) dst(%dma_wait3A_174 : memref<64x1024xf32, #tpu.memory_space<hbm>>)
      tpu.yield
    }) : () -> ()
    %add3A_27 = arith.constant 768 : i32
    %add3A_28 = arith.addi %mul3A_2, %add3A_27 : i32
    "tpu.region"() ({
      %run_scoped3A = tpu.sem_alloc : memref<!tpu.dma_semaphore, #tpu.memory_space<semaphore_mem>>
      %dma_start3A_167 = arith.constant 0 : i32
      %dma_start3A_168 = tpu.memref_slice %arg2[%add3A_28, %dma_start3A_167] : memref<32768x1024xf32, #tpu.memory_space<hbm>> -> memref<64x1024xf32, #tpu.memory_space<hbm>>
      %dma_start3A_169 = arith.constant 0 : i32
      %dma_start3A_170 = tpu.memref_slice %arg2[%add3A_28, %dma_start3A_169] : memref<32768x1024xf32, #tpu.memory_space<hbm>> -> memref<64x1024xf32, #tpu.memory_space<hbm>>
      tpu.enqueue_dma source(%dma_start3A_170 : memref<64x1024xf32, #tpu.memory_space<hbm>>) target(%arg8 : memref<64x1024xf32, #tpu.memory_space<vmem>>) target_semaphore(%run_scoped3A : memref<!tpu.dma_semaphore, #tpu.memory_space<semaphore_mem>>)
      %dma_wait3A_171 = arith.constant 0 : i32
      %dma_wait3A_172 = tpu.memref_slice %arg2[%add3A_28, %dma_wait3A_171] : memref<32768x1024xf32, #tpu.memory_space<hbm>> -> memref<64x1024xf32, #tpu.memory_space<hbm>>
      %dma_wait3A_173 = arith.constant 0 : i32
      %dma_wait3A_174 = tpu.memref_slice %arg2[%add3A_28, %dma_wait3A_173] : memref<32768x1024xf32, #tpu.memory_space<hbm>> -> memref<64x1024xf32, #tpu.memory_space<hbm>>
      tpu.wait_dma2 semaphore(%run_scoped3A : memref<!tpu.dma_semaphore, #tpu.memory_space<semaphore_mem>>) src(%dma_wait3A_174 : memref<64x1024xf32, #tpu.memory_space<hbm>>) dst(%arg8 : memref<64x1024xf32, #tpu.memory_space<vmem>>)
      tpu.yield
    }) : () -> ()
    "tpu.region"() ({
      %run_scoped3A = tpu.sem_alloc : memref<!tpu.dma_semaphore, #tpu.memory_space<semaphore_mem>>
      %dma_start3A_167 = arith.constant 0 : i32
      %dma_start3A_168 = tpu.memref_slice %arg7[%add3A_28, %dma_start3A_167] : memref<32768x1024xf32, #tpu.memory_space<hbm>> -> memref<64x1024xf32, #tpu.memory_space<hbm>>
      %dma_start3A_169 = arith.constant 0 : i32
      %dma_start3A_170 = tpu.memref_slice %arg7[%add3A_28, %dma_start3A_169] : memref<32768x1024xf32, #tpu.memory_space<hbm>> -> memref<64x1024xf32, #tpu.memory_space<hbm>>
      tpu.enqueue_dma source(%arg8 : memref<64x1024xf32, #tpu.memory_space<vmem>>) target(%dma_start3A_170 : memref<64x1024xf32, #tpu.memory_space<hbm>>) target_semaphore(%run_scoped3A : memref<!tpu.dma_semaphore, #tpu.memory_space<semaphore_mem>>)
      %dma_wait3A_171 = arith.constant 0 : i32
      %dma_wait3A_172 = tpu.memref_slice %arg7[%add3A_28, %dma_wait3A_171] : memref<32768x1024xf32, #tpu.memory_space<hbm>> -> memref<64x1024xf32, #tpu.memory_space<hbm>>
      %dma_wait3A_173 = arith.constant 0 : i32
      %dma_wait3A_174 = tpu.memref_slice %arg7[%add3A_28, %dma_wait3A_173] : memref<32768x1024xf32, #tpu.memory_space<hbm>> -> memref<64x1024xf32, #tpu.memory_space<hbm>>
      tpu.wait_dma2 semaphore(%run_scoped3A : memref<!tpu.dma_semaphore, #tpu.memory_space<semaphore_mem>>) src(%arg8 : memref<64x1024xf32, #tpu.memory_space<vmem>>) dst(%dma_wait3A_174 : memref<64x1024xf32, #tpu.memory_space<hbm>>)
      tpu.yield
    }) : () -> ()
    %add3A_29 = arith.constant 832 : i32
    %add3A_30 = arith.addi %mul3A_2, %add3A_29 : i32
    "tpu.region"() ({
      %run_scoped3A = tpu.sem_alloc : memref<!tpu.dma_semaphore, #tpu.memory_space<semaphore_mem>>
      %dma_start3A_167 = arith.constant 0 : i32
      %dma_start3A_168 = tpu.memref_slice %arg2[%add3A_30, %dma_start3A_167] : memref<32768x1024xf32, #tpu.memory_space<hbm>> -> memref<64x1024xf32, #tpu.memory_space<hbm>>
      %dma_start3A_169 = arith.constant 0 : i32
      %dma_start3A_170 = tpu.memref_slice %arg2[%add3A_30, %dma_start3A_169] : memref<32768x1024xf32, #tpu.memory_space<hbm>> -> memref<64x1024xf32, #tpu.memory_space<hbm>>
      tpu.enqueue_dma source(%dma_start3A_170 : memref<64x1024xf32, #tpu.memory_space<hbm>>) target(%arg8 : memref<64x1024xf32, #tpu.memory_space<vmem>>) target_semaphore(%run_scoped3A : memref<!tpu.dma_semaphore, #tpu.memory_space<semaphore_mem>>)
      %dma_wait3A_171 = arith.constant 0 : i32
      %dma_wait3A_172 = tpu.memref_slice %arg2[%add3A_30, %dma_wait3A_171] : memref<32768x1024xf32, #tpu.memory_space<hbm>> -> memref<64x1024xf32, #tpu.memory_space<hbm>>
      %dma_wait3A_173 = arith.constant 0 : i32
      %dma_wait3A_174 = tpu.memref_slice %arg2[%add3A_30, %dma_wait3A_173] : memref<32768x1024xf32, #tpu.memory_space<hbm>> -> memref<64x1024xf32, #tpu.memory_space<hbm>>
      tpu.wait_dma2 semaphore(%run_scoped3A : memref<!tpu.dma_semaphore, #tpu.memory_space<semaphore_mem>>) src(%dma_wait3A_174 : memref<64x1024xf32, #tpu.memory_space<hbm>>) dst(%arg8 : memref<64x1024xf32, #tpu.memory_space<vmem>>)
      tpu.yield
    }) : () -> ()
    "tpu.region"() ({
      %run_scoped3A = tpu.sem_alloc : memref<!tpu.dma_semaphore, #tpu.memory_space<semaphore_mem>>
      %dma_start3A_167 = arith.constant 0 : i32
      %dma_start3A_168 = tpu.memref_slice %arg7[%add3A_30, %dma_start3A_167] : memref<32768x1024xf32, #tpu.memory_space<hbm>> -> memref<64x1024xf32, #tpu.memory_space<hbm>>
      %dma_start3A_169 = arith.constant 0 : i32
      %dma_start3A_170 = tpu.memref_slice %arg7[%add3A_30, %dma_start3A_169] : memref<32768x1024xf32, #tpu.memory_space<hbm>> -> memref<64x1024xf32, #tpu.memory_space<hbm>>
      tpu.enqueue_dma source(%arg8 : memref<64x1024xf32, #tpu.memory_space<vmem>>) target(%dma_start3A_170 : memref<64x1024xf32, #tpu.memory_space<hbm>>) target_semaphore(%run_scoped3A : memref<!tpu.dma_semaphore, #tpu.memory_space<semaphore_mem>>)
      %dma_wait3A_171 = arith.constant 0 : i32
      %dma_wait3A_172 = tpu.memref_slice %arg7[%add3A_30, %dma_wait3A_171] : memref<32768x1024xf32, #tpu.memory_space<hbm>> -> memref<64x1024xf32, #tpu.memory_space<hbm>>
      %dma_wait3A_173 = arith.constant 0 : i32
      %dma_wait3A_174 = tpu.memref_slice %arg7[%add3A_30, %dma_wait3A_173] : memref<32768x1024xf32, #tpu.memory_space<hbm>> -> memref<64x1024xf32, #tpu.memory_space<hbm>>
      tpu.wait_dma2 semaphore(%run_scoped3A : memref<!tpu.dma_semaphore, #tpu.memory_space<semaphore_mem>>) src(%arg8 : memref<64x1024xf32, #tpu.memory_space<vmem>>) dst(%dma_wait3A_174 : memref<64x1024xf32, #tpu.memory_space<hbm>>)
      tpu.yield
    }) : () -> ()
    %add3A_31 = arith.constant 896 : i32
    %add3A_32 = arith.addi %mul3A_2, %add3A_31 : i32
    "tpu.region"() ({
      %run_scoped3A = tpu.sem_alloc : memref<!tpu.dma_semaphore, #tpu.memory_space<semaphore_mem>>
      %dma_start3A_167 = arith.constant 0 : i32
      %dma_start3A_168 = tpu.memref_slice %arg2[%add3A_32, %dma_start3A_167] : memref<32768x1024xf32, #tpu.memory_space<hbm>> -> memref<64x1024xf32, #tpu.memory_space<hbm>>
      %dma_start3A_169 = arith.constant 0 : i32
      %dma_start3A_170 = tpu.memref_slice %arg2[%add3A_32, %dma_start3A_169] : memref<32768x1024xf32, #tpu.memory_space<hbm>> -> memref<64x1024xf32, #tpu.memory_space<hbm>>
      tpu.enqueue_dma source(%dma_start3A_170 : memref<64x1024xf32, #tpu.memory_space<hbm>>) target(%arg8 : memref<64x1024xf32, #tpu.memory_space<vmem>>) target_semaphore(%run_scoped3A : memref<!tpu.dma_semaphore, #tpu.memory_space<semaphore_mem>>)
      %dma_wait3A_171 = arith.constant 0 : i32
      %dma_wait3A_172 = tpu.memref_slice %arg2[%add3A_32, %dma_wait3A_171] : memref<32768x1024xf32, #tpu.memory_space<hbm>> -> memref<64x1024xf32, #tpu.memory_space<hbm>>
      %dma_wait3A_173 = arith.constant 0 : i32
      %dma_wait3A_174 = tpu.memref_slice %arg2[%add3A_32, %dma_wait3A_173] : memref<32768x1024xf32, #tpu.memory_space<hbm>> -> memref<64x1024xf32, #tpu.memory_space<hbm>>
      tpu.wait_dma2 semaphore(%run_scoped3A : memref<!tpu.dma_semaphore, #tpu.memory_space<semaphore_mem>>) src(%dma_wait3A_174 : memref<64x1024xf32, #tpu.memory_space<hbm>>) dst(%arg8 : memref<64x1024xf32, #tpu.memory_space<vmem>>)
      tpu.yield
    }) : () -> ()
    "tpu.region"() ({
      %run_scoped3A = tpu.sem_alloc : memref<!tpu.dma_semaphore, #tpu.memory_space<semaphore_mem>>
      %dma_start3A_167 = arith.constant 0 : i32
      %dma_start3A_168 = tpu.memref_slice %arg7[%add3A_32, %dma_start3A_167] : memref<32768x1024xf32, #tpu.memory_space<hbm>> -> memref<64x1024xf32, #tpu.memory_space<hbm>>
      %dma_start3A_169 = arith.constant 0 : i32
      %dma_start3A_170 = tpu.memref_slice %arg7[%add3A_32, %dma_start3A_169] : memref<32768x1024xf32, #tpu.memory_space<hbm>> -> memref<64x1024xf32, #tpu.memory_space<hbm>>
      tpu.enqueue_dma source(%arg8 : memref<64x1024xf32, #tpu.memory_space<vmem>>) target(%dma_start3A_170 : memref<64x1024xf32, #tpu.memory_space<hbm>>) target_semaphore(%run_scoped3A : memref<!tpu.dma_semaphore, #tpu.memory_space<semaphore_mem>>)
      %dma_wait3A_171 = arith.constant 0 : i32
      %dma_wait3A_172 = tpu.memref_slice %arg7[%add3A_32, %dma_wait3A_171] : memref<32768x1024xf32, #tpu.memory_space<hbm>> -> memref<64x1024xf32, #tpu.memory_space<hbm>>
      %dma_wait3A_173 = arith.constant 0 : i32
      %dma_wait3A_174 = tpu.memref_slice %arg7[%add3A_32, %dma_wait3A_173] : memref<32768x1024xf32, #tpu.memory_space<hbm>> -> memref<64x1024xf32, #tpu.memory_space<hbm>>
      tpu.wait_dma2 semaphore(%run_scoped3A : memref<!tpu.dma_semaphore, #tpu.memory_space<semaphore_mem>>) src(%arg8 : memref<64x1024xf32, #tpu.memory_space<vmem>>) dst(%dma_wait3A_174 : memref<64x1024xf32, #tpu.memory_space<hbm>>)
      tpu.yield
    }) : () -> ()
    %add3A_33 = arith.constant 960 : i32
    %add3A_34 = arith.addi %mul3A_2, %add3A_33 : i32
    "tpu.region"() ({
      %run_scoped3A = tpu.sem_alloc : memref<!tpu.dma_semaphore, #tpu.memory_space<semaphore_mem>>
      %dma_start3A_167 = arith.constant 0 : i32
      %dma_start3A_168 = tpu.memref_slice %arg2[%add3A_34, %dma_start3A_167] : memref<32768x1024xf32, #tpu.memory_space<hbm>> -> memref<64x1024xf32, #tpu.memory_space<hbm>>
      %dma_start3A_169 = arith.constant 0 : i32
      %dma_start3A_170 = tpu.memref_slice %arg2[%add3A_34, %dma_start3A_169] : memref<32768x1024xf32, #tpu.memory_space<hbm>> -> memref<64x1024xf32, #tpu.memory_space<hbm>>
      tpu.enqueue_dma source(%dma_start3A_170 : memref<64x1024xf32, #tpu.memory_space<hbm>>) target(%arg8 : memref<64x1024xf32, #tpu.memory_space<vmem>>) target_semaphore(%run_scoped3A : memref<!tpu.dma_semaphore, #tpu.memory_space<semaphore_mem>>)
      %dma_wait3A_171 = arith.constant 0 : i32
      %dma_wait3A_172 = tpu.memref_slice %arg2[%add3A_34, %dma_wait3A_171] : memref<32768x1024xf32, #tpu.memory_space<hbm>> -> memref<64x1024xf32, #tpu.memory_space<hbm>>
      %dma_wait3A_173 = arith.constant 0 : i32
      %dma_wait3A_174 = tpu.memref_slice %arg2[%add3A_34, %dma_wait3A_173] : memref<32768x1024xf32, #tpu.memory_space<hbm>> -> memref<64x1024xf32, #tpu.memory_space<hbm>>
      tpu.wait_dma2 semaphore(%run_scoped3A : memref<!tpu.dma_semaphore, #tpu.memory_space<semaphore_mem>>) src(%dma_wait3A_174 : memref<64x1024xf32, #tpu.memory_space<hbm>>) dst(%arg8 : memref<64x1024xf32, #tpu.memory_space<vmem>>)
      tpu.yield
    }) : () -> ()
    "tpu.region"() ({
      %run_scoped3A = tpu.sem_alloc : memref<!tpu.dma_semaphore, #tpu.memory_space<semaphore_mem>>
      %dma_start3A_167 = arith.constant 0 : i32
      %dma_start3A_168 = tpu.memref_slice %arg7[%add3A_34, %dma_start3A_167] : memref<32768x1024xf32, #tpu.memory_space<hbm>> -> memref<64x1024xf32, #tpu.memory_space<hbm>>
      %dma_start3A_169 = arith.constant 0 : i32
      %dma_start3A_170 = tpu.memref_slice %arg7[%add3A_34, %dma_start3A_169] : memref<32768x1024xf32, #tpu.memory_space<hbm>> -> memref<64x1024xf32, #tpu.memory_space<hbm>>
      tpu.enqueue_dma source(%arg8 : memref<64x1024xf32, #tpu.memory_space<vmem>>) target(%dma_start3A_170 : memref<64x1024xf32, #tpu.memory_space<hbm>>) target_semaphore(%run_scoped3A : memref<!tpu.dma_semaphore, #tpu.memory_space<semaphore_mem>>)
      %dma_wait3A_171 = arith.constant 0 : i32
      %dma_wait3A_172 = tpu.memref_slice %arg7[%add3A_34, %dma_wait3A_171] : memref<32768x1024xf32, #tpu.memory_space<hbm>> -> memref<64x1024xf32, #tpu.memory_space<hbm>>
      %dma_wait3A_173 = arith.constant 0 : i32
      %dma_wait3A_174 = tpu.memref_slice %arg7[%add3A_34, %dma_wait3A_173] : memref<32768x1024xf32, #tpu.memory_space<hbm>> -> memref<64x1024xf32, #tpu.memory_space<hbm>>
      tpu.wait_dma2 semaphore(%run_scoped3A : memref<!tpu.dma_semaphore, #tpu.memory_space<semaphore_mem>>) src(%arg8 : memref<64x1024xf32, #tpu.memory_space<vmem>>) dst(%dma_wait3A_174 : memref<64x1024xf32, #tpu.memory_space<hbm>>)
      tpu.yield
    }) : () -> ()
    %get3A = arith.constant 0 : index
    %get3A_35 = tpu.vector_load %arg10[%get3A] {strides = array<i32>} : memref<32xi32, #tpu.memory_space<vmem>>, vector<16xi32>,
    %get3A_36 = vector.shape_cast %get3A_35 : vector<16xi32> to vector<16xi32>
    %dma_start3A = arith.constant 0 : i32
    %dma_start3A_37 = arith.constant 0 : i32
    %dma_start3A_38 = tpu.memref_slice %arg7[%dma_start3A, %dma_start3A_37] : memref<32768x1024xf32, #tpu.memory_space<hbm>> -> memref<32768x1024xf32, #tpu.memory_space<hbm>>
    tpu.enqueue_indirect_dma source(%arg12 : memref<16x1024xf32, #tpu.memory_space<vmem>>) target(%dma_start3A_38 : memref<32768x1024xf32, #tpu.memory_space<hbm>>) offsets(%get3A_36 : vector<16xi32>) semaphore(%arg13 : memref<!tpu.dma_semaphore, #tpu.memory_space<semaphore_mem>>)
    %dma_wait3A = arith.constant 0 : i32
    %dma_wait3A_39 = arith.constant 0 : i32
    %dma_wait3A_40 = tpu.memref_slice %arg7[%dma_wait3A, %dma_wait3A_39] : memref<32768x1024xf32, #tpu.memory_space<hbm>> -> memref<32768x1024xf32, #tpu.memory_space<hbm>>
    tpu.wait_indirect_dma semaphore(%arg13 : memref<!tpu.dma_semaphore, #tpu.memory_space<semaphore_mem>>) src(%arg12 : memref<16x1024xf32, #tpu.memory_space<vmem>>) dst(%dma_wait3A_40 : memref<32768x1024xf32, #tpu.memory_space<hbm>>)
    %get3A_41 = arith.constant 16 : index
    %get3A_42 = tpu.vector_load %arg10[%get3A_41] {strides = array<i32>} : memref<32xi32, #tpu.memory_space<vmem>>, vector<16xi32>,
    %get3A_43 = vector.shape_cast %get3A_42 : vector<16xi32> to vector<16xi32>
    %dma_start3A_44 = arith.constant 0 : i32
    %dma_start3A_45 = arith.constant 0 : i32
    %dma_start3A_46 = tpu.memref_slice %arg7[%dma_start3A_44, %dma_start3A_45] : memref<32768x1024xf32, #tpu.memory_space<hbm>> -> memref<32768x1024xf32, #tpu.memory_space<hbm>>
    tpu.enqueue_indirect_dma source(%arg12 : memref<16x1024xf32, #tpu.memory_space<vmem>>) target(%dma_start3A_46 : memref<32768x1024xf32, #tpu.memory_space<hbm>>) offsets(%get3A_43 : vector<16xi32>) semaphore(%arg13 : memref<!tpu.dma_semaphore, #tpu.memory_space<semaphore_mem>>)
    %dma_wait3A_47 = arith.constant 0 : i32
    %dma_wait3A_48 = arith.constant 0 : i32
    %dma_wait3A_49 = tpu.memref_slice %arg7[%dma_wait3A_47, %dma_wait3A_48] : memref<32768x1024xf32, #tpu.memory_space<hbm>> -> memref<32768x1024xf32, #tpu.memory_space<hbm>>
    tpu.wait_indirect_dma semaphore(%arg13 : memref<!tpu.dma_semaphore, #tpu.memory_space<semaphore_mem>>) src(%arg12 : memref<16x1024xf32, #tpu.memory_space<vmem>>) dst(%dma_wait3A_49 : memref<32768x1024xf32, #tpu.memory_space<hbm>>)
    %get3A_50 = arith.constant 0 : index
    %get3A_51 = tpu.vector_load %arg9[%get3A_50] {strides = array<i32>} : memref<208xi32, #tpu.memory_space<vmem>>, vector<16xi32>,
    %get3A_52 = vector.shape_cast %get3A_51 : vector<16xi32> to vector<16xi32>
    %dma_start3A_53 = arith.constant 0 : i32
    %dma_start3A_54 = arith.constant 0 : i32
    %dma_start3A_55 = tpu.memref_slice %arg7[%dma_start3A_53, %dma_start3A_54] : memref<32768x1024xf32, #tpu.memory_space<hbm>> -> memref<32768x1024xf32, #tpu.memory_space<hbm>>
    tpu.enqueue_indirect_dma source(%arg11 : memref<16x1024xf32, #tpu.memory_space<vmem>>) target(%dma_start3A_55 : memref<32768x1024xf32, #tpu.memory_space<hbm>>) offsets(%get3A_52 : vector<16xi32>) semaphore(%arg13 : memref<!tpu.dma_semaphore, #tpu.memory_space<semaphore_mem>>)
    %dma_wait3A_56 = arith.constant 0 : i32
    %dma_wait3A_57 = arith.constant 0 : i32
    %dma_wait3A_58 = tpu.memref_slice %arg7[%dma_wait3A_56, %dma_wait3A_57] : memref<32768x1024xf32, #tpu.memory_space<hbm>> -> memref<32768x1024xf32, #tpu.memory_space<hbm>>
    tpu.wait_indirect_dma semaphore(%arg13 : memref<!tpu.dma_semaphore, #tpu.memory_space<semaphore_mem>>) src(%arg11 : memref<16x1024xf32, #tpu.memory_space<vmem>>) dst(%dma_wait3A_58 : memref<32768x1024xf32, #tpu.memory_space<hbm>>)
    %get3A_59 = arith.constant 16 : index
    %get3A_60 = tpu.vector_load %arg9[%get3A_59] {strides = array<i32>} : memref<208xi32, #tpu.memory_space<vmem>>, vector<16xi32>,
    %get3A_61 = vector.shape_cast %get3A_60 : vector<16xi32> to vector<16xi32>
    %dma_start3A_62 = arith.constant 0 : i32
    %dma_start3A_63 = arith.constant 0 : i32
    %dma_start3A_64 = tpu.memref_slice %arg7[%dma_start3A_62, %dma_start3A_63] : memref<32768x1024xf32, #tpu.memory_space<hbm>> -> memref<32768x1024xf32, #tpu.memory_space<hbm>>
    tpu.enqueue_indirect_dma source(%arg11 : memref<16x1024xf32, #tpu.memory_space<vmem>>) target(%dma_start3A_64 : memref<32768x1024xf32, #tpu.memory_space<hbm>>) offsets(%get3A_61 : vector<16xi32>) semaphore(%arg13 : memref<!tpu.dma_semaphore, #tpu.memory_space<semaphore_mem>>)
    %dma_wait3A_65 = arith.constant 0 : i32
    %dma_wait3A_66 = arith.constant 0 : i32
    %dma_wait3A_67 = tpu.memref_slice %arg7[%dma_wait3A_65, %dma_wait3A_66] : memref<32768x1024xf32, #tpu.memory_space<hbm>> -> memref<32768x1024xf32, #tpu.memory_space<hbm>>
    tpu.wait_indirect_dma semaphore(%arg13 : memref<!tpu.dma_semaphore, #tpu.memory_space<semaphore_mem>>) src(%arg11 : memref<16x1024xf32, #tpu.memory_space<vmem>>) dst(%dma_wait3A_67 : memref<32768x1024xf32, #tpu.memory_space<hbm>>)
    %get3A_68 = arith.constant 32 : index
    %get3A_69 = tpu.vector_load %arg9[%get3A_68] {strides = array<i32>} : memref<208xi32, #tpu.memory_space<vmem>>, vector<16xi32>,
    %get3A_70 = vector.shape_cast %get3A_69 : vector<16xi32> to vector<16xi32>
    %dma_start3A_71 = arith.constant 0 : i32
    %dma_start3A_72 = arith.constant 0 : i32
    %dma_start3A_73 = tpu.memref_slice %arg7[%dma_start3A_71, %dma_start3A_72] : memref<32768x1024xf32, #tpu.memory_space<hbm>> -> memref<32768x1024xf32, #tpu.memory_space<hbm>>
    tpu.enqueue_indirect_dma source(%arg11 : memref<16x1024xf32, #tpu.memory_space<vmem>>) target(%dma_start3A_73 : memref<32768x1024xf32, #tpu.memory_space<hbm>>) offsets(%get3A_70 : vector<16xi32>) semaphore(%arg13 : memref<!tpu.dma_semaphore, #tpu.memory_space<semaphore_mem>>)
    %dma_wait3A_74 = arith.constant 0 : i32
    %dma_wait3A_75 = arith.constant 0 : i32
    %dma_wait3A_76 = tpu.memref_slice %arg7[%dma_wait3A_74, %dma_wait3A_75] : memref<32768x1024xf32, #tpu.memory_space<hbm>> -> memref<32768x1024xf32, #tpu.memory_space<hbm>>
    tpu.wait_indirect_dma semaphore(%arg13 : memref<!tpu.dma_semaphore, #tpu.memory_space<semaphore_mem>>) src(%arg11 : memref<16x1024xf32, #tpu.memory_space<vmem>>) dst(%dma_wait3A_76 : memref<32768x1024xf32, #tpu.memory_space<hbm>>)
    %get3A_77 = arith.constant 48 : index
    %get3A_78 = tpu.vector_load %arg9[%get3A_77] {strides = array<i32>} : memref<208xi32, #tpu.memory_space<vmem>>, vector<16xi32>,
    %get3A_79 = vector.shape_cast %get3A_78 : vector<16xi32> to vector<16xi32>
    %dma_start3A_80 = arith.constant 0 : i32
    %dma_start3A_81 = arith.constant 0 : i32
    %dma_start3A_82 = tpu.memref_slice %arg7[%dma_start3A_80, %dma_start3A_81] : memref<32768x1024xf32, #tpu.memory_space<hbm>> -> memref<32768x1024xf32, #tpu.memory_space<hbm>>
    tpu.enqueue_indirect_dma source(%arg11 : memref<16x1024xf32, #tpu.memory_space<vmem>>) target(%dma_start3A_82 : memref<32768x1024xf32, #tpu.memory_space<hbm>>) offsets(%get3A_79 : vector<16xi32>) semaphore(%arg13 : memref<!tpu.dma_semaphore, #tpu.memory_space<semaphore_mem>>)
    %dma_wait3A_83 = arith.constant 0 : i32
    %dma_wait3A_84 = arith.constant 0 : i32
    %dma_wait3A_85 = tpu.memref_slice %arg7[%dma_wait3A_83, %dma_wait3A_84] : memref<32768x1024xf32, #tpu.memory_space<hbm>> -> memref<32768x1024xf32, #tpu.memory_space<hbm>>
    tpu.wait_indirect_dma semaphore(%arg13 : memref<!tpu.dma_semaphore, #tpu.memory_space<semaphore_mem>>) src(%arg11 : memref<16x1024xf32, #tpu.memory_space<vmem>>) dst(%dma_wait3A_85 : memref<32768x1024xf32, #tpu.memory_space<hbm>>)
    %get3A_86 = arith.constant 64 : index
    %get3A_87 = tpu.vector_load %arg9[%get3A_86] {strides = array<i32>} : memref<208xi32, #tpu.memory_space<vmem>>, vector<16xi32>,
    %get3A_88 = vector.shape_cast %get3A_87 : vector<16xi32> to vector<16xi32>
    %dma_start3A_89 = arith.constant 0 : i32
    %dma_start3A_90 = arith.constant 0 : i32
    %dma_start3A_91 = tpu.memref_slice %arg7[%dma_start3A_89, %dma_start3A_90] : memref<32768x1024xf32, #tpu.memory_space<hbm>> -> memref<32768x1024xf32, #tpu.memory_space<hbm>>
    tpu.enqueue_indirect_dma source(%arg11 : memref<16x1024xf32, #tpu.memory_space<vmem>>) target(%dma_start3A_91 : memref<32768x1024xf32, #tpu.memory_space<hbm>>) offsets(%get3A_88 : vector<16xi32>) semaphore(%arg13 : memref<!tpu.dma_semaphore, #tpu.memory_space<semaphore_mem>>)
    %dma_wait3A_92 = arith.constant 0 : i32
    %dma_wait3A_93 = arith.constant 0 : i32
    %dma_wait3A_94 = tpu.memref_slice %arg7[%dma_wait3A_92, %dma_wait3A_93] : memref<32768x1024xf32, #tpu.memory_space<hbm>> -> memref<32768x1024xf32, #tpu.memory_space<hbm>>
    tpu.wait_indirect_dma semaphore(%arg13 : memref<!tpu.dma_semaphore, #tpu.memory_space<semaphore_mem>>) src(%arg11 : memref<16x1024xf32, #tpu.memory_space<vmem>>) dst(%dma_wait3A_94 : memref<32768x1024xf32, #tpu.memory_space<hbm>>)
    %get3A_95 = arith.constant 80 : index
    %get3A_96 = tpu.vector_load %arg9[%get3A_95] {strides = array<i32>} : memref<208xi32, #tpu.memory_space<vmem>>, vector<16xi32>,
    %get3A_97 = vector.shape_cast %get3A_96 : vector<16xi32> to vector<16xi32>
    %dma_start3A_98 = arith.constant 0 : i32
    %dma_start3A_99 = arith.constant 0 : i32
    %dma_start3A_100 = tpu.memref_slice %arg7[%dma_start3A_98, %dma_start3A_99] : memref<32768x1024xf32, #tpu.memory_space<hbm>> -> memref<32768x1024xf32, #tpu.memory_space<hbm>>
    tpu.enqueue_indirect_dma source(%arg11 : memref<16x1024xf32, #tpu.memory_space<vmem>>) target(%dma_start3A_100 : memref<32768x1024xf32, #tpu.memory_space<hbm>>) offsets(%get3A_97 : vector<16xi32>) semaphore(%arg13 : memref<!tpu.dma_semaphore, #tpu.memory_space<semaphore_mem>>)
    %dma_wait3A_101 = arith.constant 0 : i32
    %dma_wait3A_102 = arith.constant 0 : i32
    %dma_wait3A_103 = tpu.memref_slice %arg7[%dma_wait3A_101, %dma_wait3A_102] : memref<32768x1024xf32, #tpu.memory_space<hbm>> -> memref<32768x1024xf32, #tpu.memory_space<hbm>>
    tpu.wait_indirect_dma semaphore(%arg13 : memref<!tpu.dma_semaphore, #tpu.memory_space<semaphore_mem>>) src(%arg11 : memref<16x1024xf32, #tpu.memory_space<vmem>>) dst(%dma_wait3A_103 : memref<32768x1024xf32, #tpu.memory_space<hbm>>)
    %get3A_104 = arith.constant 96 : index
    %get3A_105 = tpu.vector_load %arg9[%get3A_104] {strides = array<i32>} : memref<208xi32, #tpu.memory_space<vmem>>, vector<16xi32>,
    %get3A_106 = vector.shape_cast %get3A_105 : vector<16xi32> to vector<16xi32>
    %dma_start3A_107 = arith.constant 0 : i32
    %dma_start3A_108 = arith.constant 0 : i32
    %dma_start3A_109 = tpu.memref_slice %arg7[%dma_start3A_107, %dma_start3A_108] : memref<32768x1024xf32, #tpu.memory_space<hbm>> -> memref<32768x1024xf32, #tpu.memory_space<hbm>>
    tpu.enqueue_indirect_dma source(%arg11 : memref<16x1024xf32, #tpu.memory_space<vmem>>) target(%dma_start3A_109 : memref<32768x1024xf32, #tpu.memory_space<hbm>>) offsets(%get3A_106 : vector<16xi32>) semaphore(%arg13 : memref<!tpu.dma_semaphore, #tpu.memory_space<semaphore_mem>>)
    %dma_wait3A_110 = arith.constant 0 : i32
    %dma_wait3A_111 = arith.constant 0 : i32
    %dma_wait3A_112 = tpu.memref_slice %arg7[%dma_wait3A_110, %dma_wait3A_111] : memref<32768x1024xf32, #tpu.memory_space<hbm>> -> memref<32768x1024xf32, #tpu.memory_space<hbm>>
    tpu.wait_indirect_dma semaphore(%arg13 : memref<!tpu.dma_semaphore, #tpu.memory_space<semaphore_mem>>) src(%arg11 : memref<16x1024xf32, #tpu.memory_space<vmem>>) dst(%dma_wait3A_112 : memref<32768x1024xf32, #tpu.memory_space<hbm>>)
    %get3A_113 = arith.constant 112 : index
    %get3A_114 = tpu.vector_load %arg9[%get3A_113] {strides = array<i32>} : memref<208xi32, #tpu.memory_space<vmem>>, vector<16xi32>,
    %get3A_115 = vector.shape_cast %get3A_114 : vector<16xi32> to vector<16xi32>
    %dma_start3A_116 = arith.constant 0 : i32
    %dma_start3A_117 = arith.constant 0 : i32
    %dma_start3A_118 = tpu.memref_slice %arg7[%dma_start3A_116, %dma_start3A_117] : memref<32768x1024xf32, #tpu.memory_space<hbm>> -> memref<32768x1024xf32, #tpu.memory_space<hbm>>
    tpu.enqueue_indirect_dma source(%arg11 : memref<16x1024xf32, #tpu.memory_space<vmem>>) target(%dma_start3A_118 : memref<32768x1024xf32, #tpu.memory_space<hbm>>) offsets(%get3A_115 : vector<16xi32>) semaphore(%arg13 : memref<!tpu.dma_semaphore, #tpu.memory_space<semaphore_mem>>)
    %dma_wait3A_119 = arith.constant 0 : i32
    %dma_wait3A_120 = arith.constant 0 : i32
    %dma_wait3A_121 = tpu.memref_slice %arg7[%dma_wait3A_119, %dma_wait3A_120] : memref<32768x1024xf32, #tpu.memory_space<hbm>> -> memref<32768x1024xf32, #tpu.memory_space<hbm>>
    tpu.wait_indirect_dma semaphore(%arg13 : memref<!tpu.dma_semaphore, #tpu.memory_space<semaphore_mem>>) src(%arg11 : memref<16x1024xf32, #tpu.memory_space<vmem>>) dst(%dma_wait3A_121 : memref<32768x1024xf32, #tpu.memory_space<hbm>>)
    %get3A_122 = arith.constant 128 : index
    %get3A_123 = tpu.vector_load %arg9[%get3A_122] {strides = array<i32>} : memref<208xi32, #tpu.memory_space<vmem>>, vector<16xi32>,
    %get3A_124 = vector.shape_cast %get3A_123 : vector<16xi32> to vector<16xi32>
    %dma_start3A_125 = arith.constant 0 : i32
    %dma_start3A_126 = arith.constant 0 : i32
    %dma_start3A_127 = tpu.memref_slice %arg7[%dma_start3A_125, %dma_start3A_126] : memref<32768x1024xf32, #tpu.memory_space<hbm>> -> memref<32768x1024xf32, #tpu.memory_space<hbm>>
    tpu.enqueue_indirect_dma source(%arg11 : memref<16x1024xf32, #tpu.memory_space<vmem>>) target(%dma_start3A_127 : memref<32768x1024xf32, #tpu.memory_space<hbm>>) offsets(%get3A_124 : vector<16xi32>) semaphore(%arg13 : memref<!tpu.dma_semaphore, #tpu.memory_space<semaphore_mem>>)
    %dma_wait3A_128 = arith.constant 0 : i32
    %dma_wait3A_129 = arith.constant 0 : i32
    %dma_wait3A_130 = tpu.memref_slice %arg7[%dma_wait3A_128, %dma_wait3A_129] : memref<32768x1024xf32, #tpu.memory_space<hbm>> -> memref<32768x1024xf32, #tpu.memory_space<hbm>>
    tpu.wait_indirect_dma semaphore(%arg13 : memref<!tpu.dma_semaphore, #tpu.memory_space<semaphore_mem>>) src(%arg11 : memref<16x1024xf32, #tpu.memory_space<vmem>>) dst(%dma_wait3A_130 : memref<32768x1024xf32, #tpu.memory_space<hbm>>)
    %get3A_131 = arith.constant 144 : index
    %get3A_132 = tpu.vector_load %arg9[%get3A_131] {strides = array<i32>} : memref<208xi32, #tpu.memory_space<vmem>>, vector<16xi32>,
    %get3A_133 = vector.shape_cast %get3A_132 : vector<16xi32> to vector<16xi32>
    %dma_start3A_134 = arith.constant 0 : i32
    %dma_start3A_135 = arith.constant 0 : i32
    %dma_start3A_136 = tpu.memref_slice %arg7[%dma_start3A_134, %dma_start3A_135] : memref<32768x1024xf32, #tpu.memory_space<hbm>> -> memref<32768x1024xf32, #tpu.memory_space<hbm>>
    tpu.enqueue_indirect_dma source(%arg11 : memref<16x1024xf32, #tpu.memory_space<vmem>>) target(%dma_start3A_136 : memref<32768x1024xf32, #tpu.memory_space<hbm>>) offsets(%get3A_133 : vector<16xi32>) semaphore(%arg13 : memref<!tpu.dma_semaphore, #tpu.memory_space<semaphore_mem>>)
    %dma_wait3A_137 = arith.constant 0 : i32
    %dma_wait3A_138 = arith.constant 0 : i32
    %dma_wait3A_139 = tpu.memref_slice %arg7[%dma_wait3A_137, %dma_wait3A_138] : memref<32768x1024xf32, #tpu.memory_space<hbm>> -> memref<32768x1024xf32, #tpu.memory_space<hbm>>
    tpu.wait_indirect_dma semaphore(%arg13 : memref<!tpu.dma_semaphore, #tpu.memory_space<semaphore_mem>>) src(%arg11 : memref<16x1024xf32, #tpu.memory_space<vmem>>) dst(%dma_wait3A_139 : memref<32768x1024xf32, #tpu.memory_space<hbm>>)
    %get3A_140 = arith.constant 160 : index
    %get3A_141 = tpu.vector_load %arg9[%get3A_140] {strides = array<i32>} : memref<208xi32, #tpu.memory_space<vmem>>, vector<16xi32>,
    %get3A_142 = vector.shape_cast %get3A_141 : vector<16xi32> to vector<16xi32>
    %dma_start3A_143 = arith.constant 0 : i32
    %dma_start3A_144 = arith.constant 0 : i32
    %dma_start3A_145 = tpu.memref_slice %arg7[%dma_start3A_143, %dma_start3A_144] : memref<32768x1024xf32, #tpu.memory_space<hbm>> -> memref<32768x1024xf32, #tpu.memory_space<hbm>>
    tpu.enqueue_indirect_dma source(%arg11 : memref<16x1024xf32, #tpu.memory_space<vmem>>) target(%dma_start3A_145 : memref<32768x1024xf32, #tpu.memory_space<hbm>>) offsets(%get3A_142 : vector<16xi32>) semaphore(%arg13 : memref<!tpu.dma_semaphore, #tpu.memory_space<semaphore_mem>>)
    %dma_wait3A_146 = arith.constant 0 : i32
    %dma_wait3A_147 = arith.constant 0 : i32
    %dma_wait3A_148 = tpu.memref_slice %arg7[%dma_wait3A_146, %dma_wait3A_147] : memref<32768x1024xf32, #tpu.memory_space<hbm>> -> memref<32768x1024xf32, #tpu.memory_space<hbm>>
    tpu.wait_indirect_dma semaphore(%arg13 : memref<!tpu.dma_semaphore, #tpu.memory_space<semaphore_mem>>) src(%arg11 : memref<16x1024xf32, #tpu.memory_space<vmem>>) dst(%dma_wait3A_148 : memref<32768x1024xf32, #tpu.memory_space<hbm>>)
    %get3A_149 = arith.constant 176 : index
    %get3A_150 = tpu.vector_load %arg9[%get3A_149] {strides = array<i32>} : memref<208xi32, #tpu.memory_space<vmem>>, vector<16xi32>,
    %get3A_151 = vector.shape_cast %get3A_150 : vector<16xi32> to vector<16xi32>
    %dma_start3A_152 = arith.constant 0 : i32
    %dma_start3A_153 = arith.constant 0 : i32
    %dma_start3A_154 = tpu.memref_slice %arg7[%dma_start3A_152, %dma_start3A_153] : memref<32768x1024xf32, #tpu.memory_space<hbm>> -> memref<32768x1024xf32, #tpu.memory_space<hbm>>
    tpu.enqueue_indirect_dma source(%arg11 : memref<16x1024xf32, #tpu.memory_space<vmem>>) target(%dma_start3A_154 : memref<32768x1024xf32, #tpu.memory_space<hbm>>) offsets(%get3A_151 : vector<16xi32>) semaphore(%arg13 : memref<!tpu.dma_semaphore, #tpu.memory_space<semaphore_mem>>)
    %dma_wait3A_155 = arith.constant 0 : i32
    %dma_wait3A_156 = arith.constant 0 : i32
    %dma_wait3A_157 = tpu.memref_slice %arg7[%dma_wait3A_155, %dma_wait3A_156] : memref<32768x1024xf32, #tpu.memory_space<hbm>> -> memref<32768x1024xf32, #tpu.memory_space<hbm>>
    tpu.wait_indirect_dma semaphore(%arg13 : memref<!tpu.dma_semaphore, #tpu.memory_space<semaphore_mem>>) src(%arg11 : memref<16x1024xf32, #tpu.memory_space<vmem>>) dst(%dma_wait3A_157 : memref<32768x1024xf32, #tpu.memory_space<hbm>>)
    %get3A_158 = arith.constant 192 : index
    %get3A_159 = tpu.vector_load %arg9[%get3A_158] {strides = array<i32>} : memref<208xi32, #tpu.memory_space<vmem>>, vector<16xi32>,
    %get3A_160 = vector.shape_cast %get3A_159 : vector<16xi32> to vector<16xi32>
    %dma_start3A_161 = arith.constant 0 : i32
    %dma_start3A_162 = arith.constant 0 : i32
    %dma_start3A_163 = tpu.memref_slice %arg7[%dma_start3A_161, %dma_start3A_162] : memref<32768x1024xf32, #tpu.memory_space<hbm>> -> memref<32768x1024xf32, #tpu.memory_space<hbm>>
    tpu.enqueue_indirect_dma source(%arg11 : memref<16x1024xf32, #tpu.memory_space<vmem>>) target(%dma_start3A_163 : memref<32768x1024xf32, #tpu.memory_space<hbm>>) offsets(%get3A_160 : vector<16xi32>) semaphore(%arg13 : memref<!tpu.dma_semaphore, #tpu.memory_space<semaphore_mem>>)
    %dma_wait3A_164 = arith.constant 0 : i32
    %dma_wait3A_165 = arith.constant 0 : i32
    %dma_wait3A_166 = tpu.memref_slice %arg7[%dma_wait3A_164, %dma_wait3A_165] : memref<32768x1024xf32, #tpu.memory_space<hbm>> -> memref<32768x1024xf32, #tpu.memory_space<hbm>>
    tpu.wait_indirect_dma semaphore(%arg13 : memref<!tpu.dma_semaphore, #tpu.memory_space<semaphore_mem>>) src(%arg11 : memref<16x1024xf32, #tpu.memory_space<vmem>>) dst(%dma_wait3A_166 : memref<32768x1024xf32, #tpu.memory_space<hbm>>)
    return
  }
}

</mosaic_0001>

<sc_bundles>
// kernel: kernel.3.cloned.1.call-start
scs
__scs_entry_jumppad:
0x0: {  	(pc) =	sbr.rel $0x88, $3  }
0x1: {  	(tag) =	ssettag $0x0;
	lr =	simm.s32 $0x1  }
0x2: {  	[smem:$0x3FA0] =	sst lr;
	_ =	strace $0xD0000000  }
0x3: {  	_ = 	snop  }
0x4: {  	_ = 	snop  }
0x5: {  	_ = 	snop  }
0x6: {  	_ = 	snop  }
0x7: {  	_ = 	snop  }
__scs_overlays_trampoline_lowered:
0x8: {  	[smem:$0x3FAF] =	sst s0  }
0x9: {  	[smem:$0x3FB0] =	sst s1  }
0xa: {  	[smem:$0x3FB1] =	sst s2  }
0xb: {  	[smem:$0x3FB2] =	sst s3  }
0xc: {  	[smem:$0x3FB3] =	sst s4  }
0xd: {  	[smem:$0x3FB4] =	sst s5  }
0xe: {  	[smem:$0x3FB5] =	sst s6  }
0xf: {  	[smem:$0x3FB6] =	sst s7  }
0x10: {  	[smem:$0x3FB7] =	sst s8  }
0x11: {  	[smem:$0x3FB8] =	sst s9;
	s0 =	simm.s32 @!p0 $0x0  }
0x12: {  	s1 =	sld [smem:$0x3F9E];
	s0 =	simm.s32 @p0 $0x1  }
0x13: {  	[smem:$0x3FB9] =	sst s0;
	s0 =	simm.s32 @!p1 $0x0  }
0x14: {  	s2 =	sld [smem:$0x3F9D];
	s0 =	simm.s32 @p1 $0x1  }
0x15: {  	[smem:$0x3FBA] =	sst s0;
	s0 =	simm.s32 @!p2 $0x0  }
0x16: {  	s3 =	sld [smem:$0x3FDB];
	s0 =	simm.s32 @p2 $0x1  }
0x17: {  	s4 =	simm.s32 $0x1BF5;
	[smem:$0x3FBC] =	sst s0  }
0x18: {  	s0 =	sld [smem:$0x3F9F];
	_ =	swait.ge [sflag:s4], $0x0  }
0x19: {  	s7 =	sld [smem:$0x3FA0]  }
0x1a: {  	s8 =	sadd.s32 $0xFFFFE003, lr  }
0x1b: {  	s9 =	sadd.s32 $0xFFFFFEF7, lr;
	s5 =	simm.s32 $0xFFFFFFFF;
	p2 =	slt.u32 s8, $0xFFFFF086  }
0x1c: {  	p1 =	slt.u32 s9, $0xF7A;
	s5 =	simm.s32 @!p2 $0x0  }
0x1d: {  	s5 =	simm.s32 @p1 $0x1;
	p0 =	seq.s32 s7, s2  }
0x1e: {  	s7 =	smul.u32 @!p0 $0xF7A, s2;
	p2 =	seq.s32 @!p0 s5, $0x0  }
0x1f: {  	s9 =	smul.u32 $0xF7A, s1;
	s8 =	simm.s32 @!p0 $0x1BF5;
	p2 =	por !p2, p0  }
0x20: {  	[sflag:s8] =	ssyncset.s32 @!p0 $0xFFFFF086;
	s6 =	sadd.s32 @!p0 s3, s7;
	s7 =	simm.s32 @!p0 $0x108  }
0x21: {  	s3 =	sadd.s32 s3, s9;
	s6 =	sadd.s32 @!p0 $0x88, s6;
	s7 =	simm.s32 @p2 $0x1082  }
0x22: {  	[simem:s7], [sflag:s8] =	dma.local @!p0 [hbm:s6], $0xF7A  }
0x23: {  	s9 =	sor.u32 $0xD0000000, s2;
	s6 =	simm.s32 $0x108;
	_ =	swait.ge @!p0 [sflag:s8], $0x0  }
0x24: {  	s3 =	sadd.s32 $0x88, s3;
	s6 =	simm.s32 @!p1 $0x1082;
	[sflag:s4] =	ssyncset.s32 $0xFFFFF086  }
0x25: {  	[simem:s6], [sflag:s4] =	dma.local [hbm:s3], $0xF7A  }
0x26: {  	[smem:$0x3FA0] =	sst s1;
	(tag) =	ssettag s2;
	_ =	strace s9  }
0x27: {  	s1 =	sld [smem:$0x3FB0]  }
0x28: {  	s2 =	sld [smem:$0x3FB1]  }
0x29: {  	s4 =	sld [smem:$0x3FB3]  }
0x2a: {  	p0 =	seq.s32 s5, $0x0;
	s5 =	sld [smem:$0x3FB4]  }
0x2b: {  	s6 =	sld [smem:$0x3FB5]  }
0x2c: {  	s7 =	sld [smem:$0x3FB6]  }
0x2d: {  	s3 =	simm.s32 $0x108;
	s8 =	sld [smem:$0x3FB7]  }
0x2e: {  	s3 =	simm.s32 @!p0 $0x1082;
	s9 =	sld [smem:$0x3FB8]  }
0x2f: {  	lr =	sadd.s32 s0, s3;
	s0 =	sld [smem:$0x3FAF]  }
0x30: {  	s3 =	sld [smem:$0x3FB2]  }
0x31: {  	[smem:$0x3FBB] =	sst s10  }
0x32: {  	s10 =	sld [smem:$0x3FB9];
	_ =	sdelay $0x3  }
0x33: {  	p0 =	seq.s32 s10, $0x1;
	s10 =	sld [smem:$0x3FBB];
	_ =	sdelay $0x3  }
0x34: {  	[smem:$0x3FBB] =	sst s10  }
0x35: {  	s10 =	sld [smem:$0x3FBA];
	_ =	sdelay $0x3  }
0x36: {  	p1 =	seq.s32 s10, $0x1;
	s10 =	sld [smem:$0x3FBB];
	_ =	sdelay $0x3  }
0x37: {  	[smem:$0x3FBB] =	sst s10  }
0x38: {  	s10 =	sld [smem:$0x3FBC]  }
0x39: {  	_ = 	snop;
	(pc) =	sbr.ind lr, $3  }
0x3a: {  	_ = 	snop  }
0x3b: {  	_ = 	snop  }
0x3c: {  	p2 =	seq.s32 s10, $0x1;
	s10 =	sld [smem:$0x3FBB]  }
0x3d: {  	_ =	shalt  }
0x3e: {  	_ =	shalt  }
0x3f: {  	_ =	shalt  }
0x40: {  	_ =	shalt  }
0x41: {  	_ =	shalt  }
0x42: {  	_ =	shalt  }
0x43: {  	_ =	shalt  }
0x44: {  	_ =	shalt  }
0x45: {  	_ =	shalt  }
0x46: {  	_ =	shalt  }
0x47: {  	_ =	shalt  }
0x48: {  	_ =	shalt  }
0x49: {  	_ =	shalt  }
0x4a: {  	_ =	shalt  }
0x4b: {  	_ =	shalt  }
0x4c: {  	_ =	shalt  }
0x4d: {  	_ =	shalt  }
0x4e: {  	_ =	shalt  }
0x4f: {  	_ =	shalt  }
0x50: {  	_ =	shalt  }
0x51: {  	_ =	shalt  }
0x52: {  	_ =	shalt  }
0x53: {  	_ =	shalt  }
0x54: {  	_ =	shalt  }
0x55: {  	_ =	shalt  }
0x56: {  	_ =	shalt  }
0x57: {  	_ =	shalt  }
0x58: {  	_ =	shalt  }
0x59: {  	_ =	shalt  }
0x5a: {  	_ =	shalt  }
0x5b: {  	_ =	shalt  }
0x5c: {  	_ =	shalt  }
0x5d: {  	_ =	shalt  }
0x5e: {  	_ =	shalt  }
0x5f: {  	_ =	shalt  }
0x60: {  	_ =	shalt  }
0x61: {  	_ =	shalt  }
0x62: {  	_ =	shalt  }
0x63: {  	_ =	shalt  }
0x64: {  	_ =	shalt  }
0x65: {  	_ =	shalt  }
0x66: {  	_ =	shalt  }
0x67: {  	_ =	shalt  }
0x68: {  	_ =	shalt  }
0x69: {  	_ =	shalt  }
0x6a: {  	_ =	shalt  }
0x6b: {  	_ =	shalt  }
0x6c: {  	_ =	shalt  }
0x6d: {  	_ =	shalt  }
0x6e: {  	_ =	shalt  }
0x6f: {  	_ =	shalt  }
0x70: {  	_ =	shalt  }
0x71: {  	_ =	shalt  }
0x72: {  	_ =	shalt  }
0x73: {  	_ =	shalt  }
0x74: {  	_ =	shalt  }
0x75: {  	_ =	shalt  }
0x76: {  	_ =	shalt  }
0x77: {  	_ =	shalt  }
0x78: {  	_ =	shalt  }
0x79: {  	_ =	shalt  }
0x7a: {  	_ =	shalt  }
0x7b: {  	_ =	shalt  }
0x7c: {  	_ =	shalt  }
0x7d: {  	_ =	shalt  }
0x7e: {  	_ =	shalt  }
0x7f: {  	_ =	shalt  }
0x80: {  	_ =	shalt  }
0x81: {  	_ =	shalt  }
0x82: {  	_ =	shalt  }
0x83: {  	_ =	shalt  }
0x84: {  	_ =	shalt  }
0x85: {  	_ =	shalt  }
0x86: {  	_ =	shalt  }
0x87: {  	_ =	shalt  }
.Lfunc_end0:
.L_simem_size_0:
called_computation_lowered:
.L_overlay_start_0:
0x88: {  	s2 =	sld [smem:$0x3FD9]  }
0x89: {  	s3 =	sld [smem:$0x3FFE];
	_ =	sdelay $0x1  }
0x8a: {  	s1 =	srdreg.scid  }
0x8b: {  	s0 =	sand.u32 $0x1, s1  }
0x8c: {  	s14 =	sshll.u32 s0, $0xA;
	s2 =	sadd.s32 s3, s2  }
0x8d: {  	s2 =	sadd.s32 s2, s14  }
0x8e: {  	[smem:$0x3FC7] =	sst s2  }
0x8f: {  	_ = 	snop  }
0x90: {  	s2 =	sld [smem:$0x3FD0];
	_ =	sdelay $0x2  }
0x91: {  	s4 =	simm.s32 $0xA;
	s5 =	simm.s32 $0x10;
	s15 =	sld [smem:$0x3FC9]  }
0x92: {  	[smem:s5], [sflag:s4] =	dma.local [hbm:s2], $0x1  }
0x93: {  	_ =	swait.eq [sflag:s4], $0x1  }
0x94: {  	[sflag:s4] =	ssyncset.done $0x0  }
0x95: {  	s16 =	sld [smem:$0x10];
	[sflag:s4] =	ssyncadd.s32 $0xFFFFFFFF  }
0x96: {  	s17 =	sld [smem:$0x11];
	(tm) =	ssettm $0x1  }
0x97: {  	s18 =	sld [smem:$0x3FFB];
	_ =	sdelay $0x3  }
0x98: {  	_ =	strace s18  }
0x99: {  	s5 =	sld [smem:$0x3FFC];
	_ =	sdelay $0x3  }
0x9a: {  	_ =	strace s5  }
0x9b: {  	s5 =	sld [smem:$0x3FFD];
	_ =	sdelay $0x3  }
0x9c: {  	_ =	strace s5  }
0x9d: {  	_ =	strace $0x8FFFFFFF  }
0x9e: {  	s19 =	sld [smem:$0x3FDB];
	_ =	sdelay $0x1  }
0x9f: {  	s6 =	simm.s32 $_scs_section_size  }
0xa0: {  	s7 =	simm.s32 $_size__tile_overlayer_lowered;
	s8 =	simm.s32 $_tile_overlayer_lowered  }
0xa1: {  	s22 =	simm.s32 $0x1BFF;
	s21 =	sshll.u32 s8, $0x1;
	s5 =	sadd.s32 s6, s19  }
0xa2: {  	s9 =	simm.s32 $0x0;
	s20 =	sshll.u32 s7, $0x1;
	s7 =	sadd.s32 s21, s5  }
0xa3: {  	[timem:s9], [sflag:s22] =	dma.local [hbm:s7], s20  }
0xa4: {  	_ =	swait.ge [sflag:s22], s20  }
0xa5: {  	s6 =	ssub.s32 $0x0, s20;
	[sflag:s22] =	ssyncset.done $0x0  }
0xa6: {  	[sflag:s22] =	ssyncadd.s32 s6;
	_ =	sdelay $0x1  }
0xa7: {  	s23 =	simm.s32 $0x1B8B  }
0xa8: {  	_ =	swait.ge [sflag:s23], $0x1  }
0xa9: {  	[sflag:s23] =	ssyncset.done $0x0  }
0xaa: {  	s25 =	simm.s32 $0x1B8E;
	s24 =	sld [smem:$0x3FFE];
	[sflag:s23] =	ssyncadd.s32 $0xFFFFFFFF  }
0xab: {  	s26 =	simm.s32 $execute0_lowered;
	[smem:$0x3FD2] =	sst s25  }
0xac: {  	s7 =	sshll.u32 s26, $0x1;
	_ =	strace $0x80000046;
	[dreg:$0x1] =	wrdreg $0xFFFFFFFF  }
0xad: {  	s28 =	simm.s32 $_size_execute0_lowered;
	s5 =	sadd.s32 s5, s7;
	[dreg:$0x0] =	wrdreg $0x0  }
0xae: {  	s7 =	sshll.u32 s28, $0x1;
	[dreg:$0x2] =	wrdreg s5  }
0xaf: {  	[dreg:$0x3] =	wrdreg s7  }
0xb0: {  	[dreg:$0x4] =	wrdreg $0xC0  }
0xb1: {  	_ =	task [dreg:s9], $0x5FFFF  }
0xb2: {  	[dreg:$0x1] =	wrdreg $0xFFFFFFFF  }
0xb3: {  	[dreg:$0x0] =	wrdreg $0x60  }
0xb4: {  	[dreg:$0x2] =	wrdreg s15  }
0xb5: {  	[dreg:$0x3] =	wrdreg s17  }
0xb6: {  	[dreg:$0x4] =	wrdreg s24  }
0xb7: {  	[dreg:$0x5] =	wrdreg s16  }
0xb8: {  	[dreg:$0x6] =	wrdreg $0x9  }
0xb9: {  	_ =	task.clear_ibuf [dreg:s9], $0x7FFFF;
	_ =	strace $0x90000046  }
0xba: {  	s29 =	simm.s32 $0x9;
	_ =	strace $0x80000048  }
0xbb: {  	_ =	swait.ge [sflag:s29], $0x1  }
0xbc: {  	[sflag:s29] =	ssyncadd.s32 $0xFFFFFFFF  }
0xbd: {  	_ =	strace $0x90000048  }
0xbe: {  	_ =	sfence  }
0xbf: {  	s30 =	sld [smem:$0x0];
	_ =	sdelay $0x2  }
0xc0: {  	s31 =	sshll.u32 s1, $0xD;
	s1 =	sshrl.u32 s1, $0x2  }
0xc1: {  	s3 =	sand.u32 $0x4000, s31;
	s1 =	sadd.s32 s1, s30  }
0xc2: {  	s0 =	sor.u32 s3, s0;
	s1 =	sshll.u32 s1, $0x11  }
0xc3: {  	s0 =	sor.u32 s1, s0  }
0xc4: {  	s0 =	sadd.s32 $0x8F2B, s0  }
0xc5: {  	[sflag:s0] =	ssyncadd.remote.s32 $0x1  }
0xc6: {  	_ =	sfence.sel $0xFFFF  }
0xc7: {  	[dreg:$0x0] =	wrdreg $0xFFFFFFFF;
	(pc) =	sbr.abs _section_cstart, $3  }
0xc8: {  	[dreg:$0x1] =	wrdreg $0xFFFFFFFF  }
0xc9: {  	_ =	task.clear_ibuf [dreg:s9], $0x2FFFF;
	_ =	strace $0x9FFFFFFF  }
0xca: {  	(tm) =	ssettm $0x7FFFFFFF  }
0xcb: {  	_ =	shalt  }
tec
execute0_lowered:
.L_overlay_start_1:
0x0: {  	(tag) =	ssettag $0x1  }
0x1: {  	s1 =	rddreg [dreg:$0x0]  }
0x2: {  	s5 =	rddreg [dreg:$0x1]  }
0x3: {  	s6 =	rddreg [dreg:$0x2];
	s3 =	srdreg.scid  }
0x4: {  	s0 =	stileid.u32;
	s2 =	rddreg [dreg:$0x3]  }
0x5: {  	s4 =	sand.u32 $0x1, s3;
	s20 =	sshll.u32 s0, $0x1;
	s3 =	simm.s32 $0x0  }
0x6: {  	s8 =	sshrl.u32 s0, $0x2;
	s11 =	sadd.s32 $0x1000, s6;
	s7 =	sor.u32 s4, s20  }
0x7: {  	s21 =	sadd.s32 $0x600, s6;
	[smem:$0x7FF] =	sst s3;
	s9 =	sshll.u32 s7, $0x7  }
0x8: {  	s10 =	sshll.u32 s8, $0xA;
	s8 =	sshll.u32 s8, $0xB;
	s9 =	sand.u32 $0x380, s9  }
0x9: {  	_ =	strace $0x80000047;
	s10 =	sor.u32 s10, s9;
	s8 =	sor.u32 s8, s9  }
0xa: {  	[dreg:$0x5] =	wrdreg s11;
	s10 =	sshrl.u32 s10, $0x3;
	s8 =	sshrl.u32 s8, $0x3  }
0xb: {  	[dreg:$0x6] =	wrdreg s21;
	s6 =	sadd.s32 s10, s6;
	s5 =	sadd.s32 s5, s8  }
0xc: {  	[dreg:$0x7] =	wrdreg s5;
	s6 =	sadd.s32 $0xE00, s6;
	s5 =	sshll.u32 s7, $0x11  }
0xd: {  	[dreg:$0x8] =	wrdreg s6;
	s22 =	sadd.s32 s1, s5  }
0xe: {  	s23 =	sadd.s32 s2, s5;
	s7 =	sor.u32 $0x2000, s5;
	[dreg:$0x9] =	wrdreg s22  }
0xf: {  	[dreg:$0xa] =	wrdreg s23;
	s24 =	sadd.s32 s1, s7  }
0x10: {  	s26 =	sor.u32 $0x4000, s5;
	s25 =	sadd.s32 s2, s7;
	[dreg:$0xb] =	wrdreg s24  }
0x11: {  	s0 =	sadd.s32 s1, s26;
	[dreg:$0xc] =	wrdreg s25  }
0x12: {  	s9 =	sor.u32 $0x6000, s5;
	s8 =	sadd.s32 s2, s26;
	[dreg:$0xd] =	wrdreg s0  }
0x13: {  	s10 =	sadd.s32 s1, s9;
	[dreg:$0xe] =	wrdreg s8  }
0x14: {  	s12 =	sor.u32 $0x8000, s5;
	s11 =	sadd.s32 s2, s9;
	[dreg:$0xf] =	wrdreg s10  }
0x15: {  	s28 =	simm.s32 $0x11980;
	s13 =	sadd.s32 s1, s12;
	[dreg:$0x10] =	wrdreg s11  }
0x16: {  	s15 =	sor.u32 $0xA000, s5;
	s14 =	sadd.s32 s2, s12;
	[dreg:$0x11] =	wrdreg s13  }
0x17: {  	s29 =	simm.s32 $0x12180;
	s16 =	sadd.s32 s1, s15;
	[dreg:$0x12] =	wrdreg s14  }
0x18: {  	s18 =	sor.u32 $0xC000, s5;
	s17 =	sadd.s32 s2, s15;
	[dreg:$0x13] =	wrdreg s16  }
0x19: {  	s30 =	simm.s32 $0x12980;
	s19 =	sadd.s32 s1, s18;
	[dreg:$0x14] =	wrdreg s17  }
0x1a: {  	s21 =	sor.u32 $0xE000, s5;
	s20 =	sadd.s32 s2, s18;
	[dreg:$0x15] =	wrdreg s19  }
0x1b: {  	s31 =	simm.s32 $0x13180;
	s22 =	sadd.s32 s1, s21;
	[dreg:$0x16] =	wrdreg s20  }
0x1c: {  	s23 =	sadd.s32 s2, s21;
	[dreg:$0x17] =	wrdreg s22;
	s24 =	sor.u32 $0x10000, s5  }
0x1d: {  	s4 =	ssub.s32 $0x2, s4;
	[dreg:$0x18] =	wrdreg s23;
	s25 =	sadd.s32 s1, s24  }
0x1e: {  	s0 =	sor.u32 $0x12000, s5;
	s26 =	sadd.s32 s2, s24;
	[dreg:$0x19] =	wrdreg s25  }
0x1f: {  	s6 =	sadd.s32 $0x100, s2;
	s8 =	sadd.s32 s1, s0;
	[dreg:$0x1a] =	wrdreg s26  }
0x20: {  	s10 =	sor.u32 $0x14000, s5;
	s9 =	sadd.s32 s2, s0;
	[dreg:$0x1b] =	wrdreg s8  }
0x21: {  	s7 =	sadd.s32 $0x200, s2;
	s11 =	sadd.s32 s1, s10;
	[dreg:$0x1c] =	wrdreg s9  }
0x22: {  	s13 =	sor.u32 $0x16000, s5;
	s12 =	sadd.s32 s2, s10;
	[dreg:$0x1d] =	wrdreg s11  }
0x23: {  	s16 =	sor.u32 $0x18000, s5;
	s14 =	sadd.s32 s1, s13;
	[dreg:$0x1e] =	wrdreg s12  }
0x24: {  	s19 =	sor.u32 $0x1A000, s5;
	s15 =	sadd.s32 s2, s13;
	[dreg:$0x1f] =	wrdreg s14  }
0x25: {  	s22 =	sor.u32 $0x1C000, s5;
	s17 =	sadd.s32 s1, s16;
	[smem:$0x7F7] =	sst s15  }
0x26: {  	s23 =	sshrl.u32 s4, $0x1;
	s18 =	sadd.s32 s2, s16;
	[smem:$0x7F8] =	sst s17  }
0x27: {  	s5 =	sor.u32 $0x1E000, s5;
	s20 =	sadd.s32 s1, s19;
	[smem:$0x7F9] =	sst s18  }
0x28: {  	s21 =	sadd.s32 s2, s19;
	s24 =	sadd.s32 s1, s22;
	[smem:$0x7FA] =	sst s20  }
0x29: {  	s10 =	simm.s32 $0x80;
	s13 =	simm.s32 $0x2;
	[smem:$0x7FB] =	sst s21  }
0x2a: {  	s16 =	simm.s32 $0x14180;
	s19 =	simm.s32 $0x15980;
	[smem:$0x7FC] =	sst s24  }
0x2b: {  	s25 =	sadd.s32 s2, s22;
	s26 =	ssub.s32 s4, s23;
	s4 =	sadd.s32 s1, s5  }
0x2c: {  	s5 =	sadd.s32 s2, s5;
	s8 =	sadd.s32 $0x300, s2;
	s11 =	simm.s32 $0x400  }
0x2d: {  	s12 =	simm.s32 $0x10000;
	s14 =	simm.s32 $0x10100;
	s15 =	simm.s32 $0x10180  }
0x2e: {  	s17 =	simm.s32 $0x14980;
	s18 =	simm.s32 $0x15180;
	s20 =	simm.s32 $0x16180  }
0x2f: {  	v2 =	vlaneseq.u32;
	s21 =	simm.s32 $0x16980;
	s22 =	simm.s32 $0x17180;
	s23 =	simm.s32 $0x17980  }
0x30: {  	vm0 =	vmmov $0xffff;
	v1 =	vshrl.u32 v2, $0x3;
	s24 =	simm.s32 $0x1;
	s1 =	simm.s32 $0x13980;
	[smem:$0x7FD] =	sst s25  }
0x31: {  	v0 =	vand.u32 $0x7, v2;
	v2 =	vor.u32 $0x8, v2;
	v1 =	vmul.u32 $0x8, v1;
	s9 =	smax.u32 s26, $0x1;
	s25 =	simm.s32 $0x10980;
	s26 =	simm.s32 $0x11180  }
.LBB2_1:
0x32: {  	s0 =	rddreg [dreg:$0x7]  }
0x33: {  	[tilespmem:s12], [sflag:$0x2] =	stream.strided.gather [hbm4b:s0+s10], $0x100, s11, s10, $0x38;
	[tilespmem:$0x18180] =	vst v63  }
0x34: {  	_ =	swait.ge [sflag:s13], $0x100  }
0x35: {  	[sflag:s13] =	ssyncset.done $0x0  }
0x36: {  	s0 =	rddreg [dreg:$0x8];
	[sflag:s13] =	ssyncadd.s32 $0xFFFFFF00  }
0x37: {  	[tilespmem:s14], [sflag:$0x2] =	stream.linear.gather [hbm4b:s0+s3], $0x80, $0x38;
	[tilespmem:$0x18180] =	vst v63  }
0x38: {  	_ =	swait.ge [sflag:s13], $0x80  }
0x39: {  	[sflag:s13] =	ssyncset.done $0x0  }
0x3a: {  	s0 =	rddreg [dreg:$0x5];
	[sflag:s13] =	ssyncadd.s32 $0xFFFFFF80  }
0x3b: {  	[tilespmem:s15], [sflag:$0x2] =	stream.linear.gather [hbm4b:s0+s3], $0x4000, $0x38;
	[tilespmem:$0x18180] =	vst v63  }
0x3c: {  	_ =	swait.ge [sflag:s13], $0x4000  }
0x3d: {  	[sflag:s13] =	ssyncset.done $0x0  }
0x3e: {  	s0 =	rddreg [dreg:$0x6];
	[sflag:s13] =	ssyncadd.s32 $0xFFFFC000  }
0x3f: {  	[tilespmem:s16], [sflag:$0x2] =	stream.linear.gather [hbm4b:s0+s3], $0x4000, $0x38;
	[tilespmem:$0x18180] =	vst v63  }
0x40: {  	_ =	swait.ge [sflag:s13], $0x4000  }
0x41: {  	[sflag:s13] =	ssyncset.done $0x0  }
0x42: {  	s0 =	rddreg [dreg:$0x9];
	[sflag:s13] =	ssyncadd.s32 $0xFFFFC000  }
0x43: {  	[tilespmem:s3], [sflag:$0x2] =	stream.linear.gather [hbm4b:s0+s3], $0x10000, $0x38;
	[tilespmem:$0x18180] =	vst v63  }
0x44: {  	_ =	swait.ge [sflag:s13], $0x10000  }
0x45: {  	[sflag:s13] =	ssyncset.done $0x0  }
0x46: {  	s0 =	rddreg [dreg:$0xa];
	[sflag:s13] =	ssyncadd.s32 $0xFFFF0000  }
0x47: {  	[hbm4b:s0+s3] =	stream.linear.scatter [tilespmem:s3], [sflag:$0x2], $0x10000, $0x38;
	[tilespmem:$0x18180] =	vst v63  }
0x48: {  	_ =	swait.ge [sflag:s13], $0x10000  }
0x49: {  	[sflag:s13] =	ssyncset.done $0x0  }
0x4a: {  	s0 =	rddreg [dreg:$0xb];
	[sflag:s13] =	ssyncadd.s32 $0xFFFF0000  }
0x4b: {  	[tilespmem:s3], [sflag:$0x2] =	stream.linear.gather [hbm4b:s0+s3], $0x10000, $0x38;
	[tilespmem:$0x18180] =	vst v63  }
0x4c: {  	_ =	swait.ge [sflag:s13], $0x10000  }
0x4d: {  	[sflag:s13] =	ssyncset.done $0x0  }
0x4e: {  	s0 =	rddreg [dreg:$0xc];
	[sflag:s13] =	ssyncadd.s32 $0xFFFF0000  }
0x4f: {  	[hbm4b:s0+s3] =	stream.linear.scatter [tilespmem:s3], [sflag:$0x2], $0x10000, $0x38;
	[tilespmem:$0x18180] =	vst v63  }
0x50: {  	_ =	swait.ge [sflag:s13], $0x10000  }
0x51: {  	[sflag:s13] =	ssyncset.done $0x0  }
0x52: {  	s0 =	rddreg [dreg:$0xd];
	[sflag:s13] =	ssyncadd.s32 $0xFFFF0000  }
0x53: {  	[tilespmem:s3], [sflag:$0x2] =	stream.linear.gather [hbm4b:s0+s3], $0x10000, $0x38;
	[tilespmem:$0x18180] =	vst v63  }
0x54: {  	_ =	swait.ge [sflag:s13], $0x10000  }
0x55: {  	[sflag:s13] =	ssyncset.done $0x0  }
0x56: {  	s0 =	rddreg [dreg:$0xe];
	[sflag:s13] =	ssyncadd.s32 $0xFFFF0000  }
0x57: {  	[hbm4b:s0+s3] =	stream.linear.scatter [tilespmem:s3], [sflag:$0x2], $0x10000, $0x38;
	[tilespmem:$0x18180] =	vst v63  }
0x58: {  	_ =	swait.ge [sflag:s13], $0x10000  }
0x59: {  	[sflag:s13] =	ssyncset.done $0x0  }
0x5a: {  	s0 =	rddreg [dreg:$0xf];
	[sflag:s13] =	ssyncadd.s32 $0xFFFF0000  }
0x5b: {  	[tilespmem:s3], [sflag:$0x2] =	stream.linear.gather [hbm4b:s0+s3], $0x10000, $0x38;
	[tilespmem:$0x18180] =	vst v63  }
0x5c: {  	_ =	swait.ge [sflag:s13], $0x10000  }
0x5d: {  	[sflag:s13] =	ssyncset.done $0x0  }
0x5e: {  	s0 =	rddreg [dreg:$0x10];
	[sflag:s13] =	ssyncadd.s32 $0xFFFF0000  }
0x5f: {  	[hbm4b:s0+s3] =	stream.linear.scatter [tilespmem:s3], [sflag:$0x2], $0x10000, $0x38;
	[tilespmem:$0x18180] =	vst v63  }
0x60: {  	_ =	swait.ge [sflag:s13], $0x10000  }
0x61: {  	[sflag:s13] =	ssyncset.done $0x0  }
0x62: {  	s0 =	rddreg [dreg:$0x11];
	[sflag:s13] =	ssyncadd.s32 $0xFFFF0000  }
0x63: {  	[tilespmem:s3], [sflag:$0x2] =	stream.linear.gather [hbm4b:s0+s3], $0x10000, $0x38;
	[tilespmem:$0x18180] =	vst v63  }
0x64: {  	_ =	swait.ge [sflag:s13], $0x10000  }
0x65: {  	[sflag:s13] =	ssyncset.done $0x0  }
0x66: {  	s0 =	rddreg [dreg:$0x12];
	[sflag:s13] =	ssyncadd.s32 $0xFFFF0000  }
0x67: {  	[hbm4b:s0+s3] =	stream.linear.scatter [tilespmem:s3], [sflag:$0x2], $0x10000, $0x38;
	[tilespmem:$0x18180] =	vst v63  }
0x68: {  	_ =	swait.ge [sflag:s13], $0x10000  }
0x69: {  	[sflag:s13] =	ssyncset.done $0x0  }
0x6a: {  	s0 =	rddreg [dreg:$0x13];
	[sflag:s13] =	ssyncadd.s32 $0xFFFF0000  }
0x6b: {  	[tilespmem:s3], [sflag:$0x2] =	stream.linear.gather [hbm4b:s0+s3], $0x10000, $0x38;
	[tilespmem:$0x18180] =	vst v63  }
0x6c: {  	_ =	swait.ge [sflag:s13], $0x10000  }
0x6d: {  	[sflag:s13] =	ssyncset.done $0x0  }
0x6e: {  	s0 =	rddreg [dreg:$0x14];
	[sflag:s13] =	ssyncadd.s32 $0xFFFF0000  }
0x6f: {  	[hbm4b:s0+s3] =	stream.linear.scatter [tilespmem:s3], [sflag:$0x2], $0x10000, $0x38;
	[tilespmem:$0x18180] =	vst v63  }
0x70: {  	_ =	swait.ge [sflag:s13], $0x10000  }
0x71: {  	[sflag:s13] =	ssyncset.done $0x0  }
0x72: {  	s0 =	rddreg [dreg:$0x15];
	[sflag:s13] =	ssyncadd.s32 $0xFFFF0000  }
0x73: {  	[tilespmem:s3], [sflag:$0x2] =	stream.linear.gather [hbm4b:s0+s3], $0x10000, $0x38;
	[tilespmem:$0x18180] =	vst v63  }
0x74: {  	_ =	swait.ge [sflag:s13], $0x10000  }
0x75: {  	[sflag:s13] =	ssyncset.done $0x0  }
0x76: {  	s0 =	rddreg [dreg:$0x16];
	[sflag:s13] =	ssyncadd.s32 $0xFFFF0000  }
0x77: {  	[hbm4b:s0+s3] =	stream.linear.scatter [tilespmem:s3], [sflag:$0x2], $0x10000, $0x38;
	[tilespmem:$0x18180] =	vst v63  }
0x78: {  	_ =	swait.ge [sflag:s13], $0x10000  }
0x79: {  	[sflag:s13] =	ssyncset.done $0x0  }
0x7a: {  	s0 =	rddreg [dreg:$0x17];
	[sflag:s13] =	ssyncadd.s32 $0xFFFF0000  }
0x7b: {  	[tilespmem:s3], [sflag:$0x2] =	stream.linear.gather [hbm4b:s0+s3], $0x10000, $0x38;
	[tilespmem:$0x18180] =	vst v63  }
0x7c: {  	_ =	swait.ge [sflag:s13], $0x10000  }
0x7d: {  	[sflag:s13] =	ssyncset.done $0x0  }
0x7e: {  	s0 =	rddreg [dreg:$0x18];
	[sflag:s13] =	ssyncadd.s32 $0xFFFF0000  }
0x7f: {  	[hbm4b:s0+s3] =	stream.linear.scatter [tilespmem:s3], [sflag:$0x2], $0x10000, $0x38;
	[tilespmem:$0x18180] =	vst v63  }
0x80: {  	_ =	swait.ge [sflag:s13], $0x10000  }
0x81: {  	[sflag:s13] =	ssyncset.done $0x0  }
0x82: {  	s0 =	rddreg [dreg:$0x19];
	[sflag:s13] =	ssyncadd.s32 $0xFFFF0000  }
0x83: {  	[tilespmem:s3], [sflag:$0x2] =	stream.linear.gather [hbm4b:s0+s3], $0x10000, $0x38;
	[tilespmem:$0x18180] =	vst v63  }
0x84: {  	_ =	swait.ge [sflag:s13], $0x10000  }
0x85: {  	[sflag:s13] =	ssyncset.done $0x0  }
0x86: {  	s0 =	rddreg [dreg:$0x1a];
	[sflag:s13] =	ssyncadd.s32 $0xFFFF0000  }
0x87: {  	[hbm4b:s0+s3] =	stream.linear.scatter [tilespmem:s3], [sflag:$0x2], $0x10000, $0x38;
	[tilespmem:$0x18180] =	vst v63  }
0x88: {  	_ =	swait.ge [sflag:s13], $0x10000  }
0x89: {  	[sflag:s13] =	ssyncset.done $0x0  }
0x8a: {  	s0 =	rddreg [dreg:$0x1b];
	[sflag:s13] =	ssyncadd.s32 $0xFFFF0000  }
0x8b: {  	[tilespmem:s3], [sflag:$0x2] =	stream.linear.gather [hbm4b:s0+s3], $0x10000, $0x38;
	[tilespmem:$0x18180] =	vst v63  }
0x8c: {  	_ =	swait.ge [sflag:s13], $0x10000  }
0x8d: {  	[sflag:s13] =	ssyncset.done $0x0  }
0x8e: {  	s0 =	rddreg [dreg:$0x1c];
	[sflag:s13] =	ssyncadd.s32 $0xFFFF0000  }
0x8f: {  	[hbm4b:s0+s3] =	stream.linear.scatter [tilespmem:s3], [sflag:$0x2], $0x10000, $0x38;
	[tilespmem:$0x18180] =	vst v63  }
0x90: {  	_ =	swait.ge [sflag:s13], $0x10000  }
0x91: {  	[sflag:s13] =	ssyncset.done $0x0  }
0x92: {  	s0 =	rddreg [dreg:$0x1d];
	[sflag:s13] =	ssyncadd.s32 $0xFFFF0000  }
0x93: {  	[tilespmem:s3], [sflag:$0x2] =	stream.linear.gather [hbm4b:s0+s3], $0x10000, $0x38;
	[tilespmem:$0x18180] =	vst v63  }
0x94: {  	_ =	swait.ge [sflag:s13], $0x10000  }
0x95: {  	[sflag:s13] =	ssyncset.done $0x0  }
0x96: {  	s0 =	rddreg [dreg:$0x1e];
	[sflag:s13] =	ssyncadd.s32 $0xFFFF0000  }
0x97: {  	[hbm4b:s0+s3] =	stream.linear.scatter [tilespmem:s3], [sflag:$0x2], $0x10000, $0x38;
	[tilespmem:$0x18180] =	vst v63  }
0x98: {  	_ =	swait.ge [sflag:s13], $0x10000  }
0x99: {  	[sflag:s13] =	ssyncset.done $0x0  }
0x9a: {  	s0 =	rddreg [dreg:$0x1f];
	[sflag:s13] =	ssyncadd.s32 $0xFFFF0000  }
0x9b: {  	[tilespmem:s3], [sflag:$0x2] =	stream.linear.gather [hbm4b:s0+s3], $0x10000, $0x38;
	[tilespmem:$0x18180] =	vst v63  }
0x9c: {  	_ =	swait.ge [sflag:s13], $0x10000  }
0x9d: {  	s0 =	sld [smem:$0x7F7]  }
0x9e: {  	[sflag:s13] =	ssyncset.done $0x0  }
0x9f: {  	[sflag:s13] =	ssyncadd.s32 $0xFFFF0000  }
0xa0: {  	[hbm4b:s0+s3] =	stream.linear.scatter [tilespmem:s3], [sflag:$0x2], $0x10000, $0x38;
	[tilespmem:$0x18180] =	vst v63  }
0xa1: {  	_ =	swait.ge [sflag:s13], $0x10000  }
0xa2: {  	s0 =	sld [smem:$0x7F8]  }
0xa3: {  	[sflag:s13] =	ssyncset.done $0x0  }
0xa4: {  	[sflag:s13] =	ssyncadd.s32 $0xFFFF0000  }
0xa5: {  	[tilespmem:s3], [sflag:$0x2] =	stream.linear.gather [hbm4b:s0+s3], $0x10000, $0x38;
	[tilespmem:$0x18180] =	vst v63  }
0xa6: {  	_ =	swait.ge [sflag:s13], $0x10000  }
0xa7: {  	s0 =	sld [smem:$0x7F9]  }
0xa8: {  	[sflag:s13] =	ssyncset.done $0x0  }
0xa9: {  	[sflag:s13] =	ssyncadd.s32 $0xFFFF0000  }
0xaa: {  	[hbm4b:s0+s3] =	stream.linear.scatter [tilespmem:s3], [sflag:$0x2], $0x10000, $0x38;
	[tilespmem:$0x18180] =	vst v63  }
0xab: {  	_ =	swait.ge [sflag:s13], $0x10000  }
0xac: {  	s0 =	sld [smem:$0x7FA]  }
0xad: {  	[sflag:s13] =	ssyncset.done $0x0  }
0xae: {  	[sflag:s13] =	ssyncadd.s32 $0xFFFF0000  }
0xaf: {  	[tilespmem:s3], [sflag:$0x2] =	stream.linear.gather [hbm4b:s0+s3], $0x10000, $0x38;
	[tilespmem:$0x18180] =	vst v63  }
0xb0: {  	_ =	swait.ge [sflag:s13], $0x10000  }
0xb1: {  	s0 =	sld [smem:$0x7FB]  }
0xb2: {  	[sflag:s13] =	ssyncset.done $0x0  }
0xb3: {  	[sflag:s13] =	ssyncadd.s32 $0xFFFF0000  }
0xb4: {  	[hbm4b:s0+s3] =	stream.linear.scatter [tilespmem:s3], [sflag:$0x2], $0x10000, $0x38;
	[tilespmem:$0x18180] =	vst v63  }
0xb5: {  	_ =	swait.ge [sflag:s13], $0x10000  }
0xb6: {  	s0 =	sld [smem:$0x7FC]  }
0xb7: {  	[sflag:s13] =	ssyncset.done $0x0  }
0xb8: {  	[sflag:s13] =	ssyncadd.s32 $0xFFFF0000  }
0xb9: {  	[tilespmem:s3], [sflag:$0x2] =	stream.linear.gather [hbm4b:s0+s3], $0x10000, $0x38;
	[tilespmem:$0x18180] =	vst v63  }
0xba: {  	_ =	swait.ge [sflag:s13], $0x10000  }
0xbb: {  	s0 =	sld [smem:$0x7FD]  }
0xbc: {  	[sflag:s13] =	ssyncset.done $0x0  }
0xbd: {  	[sflag:s13] =	ssyncadd.s32 $0xFFFF0000  }
0xbe: {  	[hbm4b:s0+s3] =	stream.linear.scatter [tilespmem:s3], [sflag:$0x2], $0x10000, $0x38;
	[tilespmem:$0x18180] =	vst v63  }
0xbf: {  	_ =	swait.ge [sflag:s13], $0x10000  }
0xc0: {  	[sflag:s13] =	ssyncset.done $0x0  }
0xc1: {  	[sflag:s13] =	ssyncadd.s32 $0xFFFF0000  }
0xc2: {  	[tilespmem:s3], [sflag:$0x2] =	stream.linear.gather [hbm4b:s4+s3], $0x10000, $0x38;
	[tilespmem:$0x18180] =	vst v63  }
0xc3: {  	_ =	swait.ge [sflag:s13], $0x10000  }
0xc4: {  	[sflag:s13] =	ssyncset.done $0x0  }
0xc5: {  	[sflag:s13] =	ssyncadd.s32 $0xFFFF0000  }
0xc6: {  	[hbm4b:s5+s3] =	stream.linear.scatter [tilespmem:s3], [sflag:$0x2], $0x10000, $0x38;
	[tilespmem:$0x18180] =	vst v63  }
0xc7: {  	_ =	swait.ge [sflag:s13], $0x10000  }
0xc8: {  	[sflag:s13] =	ssyncset.done $0x0  }
0xc9: {  	[sflag:s13] =	ssyncadd.s32 $0xFFFF0000  }
0xca: {  	v3 =	vld [tilespmem:$0x10100];
	_ =	sdelay $0x4  }
0xcb: {  	v4 =	vshll.u32 v3, $0x3  }
0xcc: {  	v3 =	vand.u32 $0x7, v3;
	v4 =	vand.u32 $0xFFFFFFC0, v4  }
0xcd: {  	v3 =	vor.u32 v3, v4  }
0xce: {  	v4 =	vperm.xlane v3, v0;
	_ =	sdelay $0x1  }
0xcf: {  	v4 =	vadd.s32 v1, v4;
	_ =	sdelay $0x4  }
0xd0: {  	[hbm4b:s2+s3] =	stream.indirect_vreg.scatter [tilespmem:s16], [sflag:$0x1], $0x80, v4, vm0, $0xb8;
	[tilespmem:$0x18180] =	vst v63  }
0xd1: {  	v3 =	vperm.xlane v3, v2  }
0xd2: {  	[hbm4b:s6+s3] =	stream.indirect_vreg.scatter [tilespmem:s17], [sflag:$0x1], $0x80, v4, vm0, $0xb8;
	[tilespmem:$0x18180] =	vst v63  }
0xd3: {  	v3 =	vadd.s32 v1, v3  }
0xd4: {  	[hbm4b:s7+s3] =	stream.indirect_vreg.scatter [tilespmem:s18], [sflag:$0x1], $0x80, v4, vm0, $0xb8;
	[tilespmem:$0x18180] =	vst v63  }
0xd5: {  	_ = 	snop  }
0xd6: {  	[hbm4b:s8+s3] =	stream.indirect_vreg.scatter [tilespmem:s19], [sflag:$0x1], $0x80, v4, vm0, $0xb8;
	[tilespmem:$0x18180] =	vst v63  }
0xd7: {  	_ = 	snop  }
0xd8: {  	[hbm4b:s2+s3] =	stream.indirect_vreg.scatter [tilespmem:s20], [sflag:$0x1], $0x80, v3, vm0, $0xb8;
	[tilespmem:$0x18180] =	vst v63  }
0xd9: {  	_ = 	snop  }
0xda: {  	[hbm4b:s6+s3] =	stream.indirect_vreg.scatter [tilespmem:s21], [sflag:$0x1], $0x80, v3, vm0, $0xb8;
	[tilespmem:$0x18180] =	vst v63  }
0xdb: {  	_ = 	snop  }
0xdc: {  	[hbm4b:s7+s3] =	stream.indirect_vreg.scatter [tilespmem:s22], [sflag:$0x1], $0x80, v3, vm0, $0xb8;
	[tilespmem:$0x18180] =	vst v63  }
0xdd: {  	_ = 	snop  }
0xde: {  	[hbm4b:s8+s3] =	stream.indirect_vreg.scatter [tilespmem:s23], [sflag:$0x1], $0x80, v3, vm0, $0xb8;
	[tilespmem:$0x18180] =	vst v63  }
0xdf: {  	_ =	swait.ge [sflag:s24], $0x4000  }
0xe0: {  	[sflag:s24] =	ssyncset.done $0x0  }
0xe1: {  	[sflag:s24] =	ssyncadd.s32 $0xFFFFC000  }
0xe2: {  	v3 =	vld [tilespmem:$0x10110];
	_ =	sdelay $0x4  }
0xe3: {  	v50 =	vshll.u32 v3, $0x3  }
0xe4: {  	v3 =	vand.u32 $0x7, v3;
	v4 =	vand.u32 $0xFFFFFFC0, v50  }
0xe5: {  	v3 =	vor.u32 v3, v4  }
0xe6: {  	v4 =	vperm.xlane v3, v0;
	_ =	sdelay $0x1  }
0xe7: {  	v4 =	vadd.s32 v1, v4;
	_ =	sdelay $0x4  }
0xe8: {  	[hbm4b:s2+s3] =	stream.indirect_vreg.scatter [tilespmem:s16], [sflag:$0x1], $0x80, v4, vm0, $0xb8;
	[tilespmem:$0x18180] =	vst v63  }
0xe9: {  	v3 =	vperm.xlane v3, v2  }
0xea: {  	[hbm4b:s6+s3] =	stream.indirect_vreg.scatter [tilespmem:s17], [sflag:$0x1], $0x80, v4, vm0, $0xb8;
	[tilespmem:$0x18180] =	vst v63  }
0xeb: {  	v3 =	vadd.s32 v1, v3  }
0xec: {  	[hbm4b:s7+s3] =	stream.indirect_vreg.scatter [tilespmem:s18], [sflag:$0x1], $0x80, v4, vm0, $0xb8;
	[tilespmem:$0x18180] =	vst v63  }
0xed: {  	_ = 	snop  }
0xee: {  	[hbm4b:s8+s3] =	stream.indirect_vreg.scatter [tilespmem:s19], [sflag:$0x1], $0x80, v4, vm0, $0xb8;
	[tilespmem:$0x18180] =	vst v63  }
0xef: {  	_ = 	snop  }
0xf0: {  	[hbm4b:s2+s3] =	stream.indirect_vreg.scatter [tilespmem:s20], [sflag:$0x1], $0x80, v3, vm0, $0xb8;
	[tilespmem:$0x18180] =	vst v63  }
0xf1: {  	_ = 	snop  }
0xf2: {  	[hbm4b:s6+s3] =	stream.indirect_vreg.scatter [tilespmem:s21], [sflag:$0x1], $0x80, v3, vm0, $0xb8;
	[tilespmem:$0x18180] =	vst v63  }
0xf3: {  	_ = 	snop  }
0xf4: {  	[hbm4b:s7+s3] =	stream.indirect_vreg.scatter [tilespmem:s22], [sflag:$0x1], $0x80, v3, vm0, $0xb8;
	[tilespmem:$0x18180] =	vst v63  }
0xf5: {  	_ = 	snop  }
0xf6: {  	[hbm4b:s8+s3] =	stream.indirect_vreg.scatter [tilespmem:s23], [sflag:$0x1], $0x80, v3, vm0, $0xb8;
	[tilespmem:$0x18180] =	vst v63  }
0xf7: {  	_ =	swait.ge [sflag:s24], $0x4000  }
0xf8: {  	[sflag:s24] =	ssyncset.done $0x0  }
0xf9: {  	[sflag:s24] =	ssyncadd.s32 $0xFFFFC000  }
0xfa: {  	v3 =	vld [tilespmem:$0x10000];
	_ =	sdelay $0x4  }
0xfb: {  	v51 =	vshll.u32 v3, $0x3  }
0xfc: {  	v3 =	vand.u32 $0x7, v3;
	v4 =	vand.u32 $0xFFFFFFC0, v51  }
0xfd: {  	v3 =	vor.u32 v3, v4  }
0xfe: {  	v4 =	vperm.xlane v3, v0;
	_ =	sdelay $0x1  }
0xff: {  	v4 =	vadd.s32 v1, v4;
	_ =	sdelay $0x4  }
0x100: {  	[hbm4b:s2+s3] =	stream.indirect_vreg.scatter [tilespmem:s15], [sflag:$0x1], $0x80, v4, vm0, $0xb8;
	[tilespmem:$0x18180] =	vst v63  }
0x101: {  	v3 =	vperm.xlane v3, v2  }
0x102: {  	[hbm4b:s6+s3] =	stream.indirect_vreg.scatter [tilespmem:s25], [sflag:$0x1], $0x80, v4, vm0, $0xb8;
	[tilespmem:$0x18180] =	vst v63  }
0x103: {  	v3 =	vadd.s32 v1, v3  }
0x104: {  	[hbm4b:s7+s3] =	stream.indirect_vreg.scatter [tilespmem:s26], [sflag:$0x1], $0x80, v4, vm0, $0xb8;
	[tilespmem:$0x18180] =	vst v63  }
0x105: {  	_ = 	snop  }
0x106: {  	[hbm4b:s8+s3] =	stream.indirect_vreg.scatter [tilespmem:s28], [sflag:$0x1], $0x80, v4, vm0, $0xb8;
	[tilespmem:$0x18180] =	vst v63  }
0x107: {  	_ = 	snop  }
0x108: {  	[hbm4b:s2+s3] =	stream.indirect_vreg.scatter [tilespmem:s29], [sflag:$0x1], $0x80, v3, vm0, $0xb8;
	[tilespmem:$0x18180] =	vst v63  }
0x109: {  	_ = 	snop  }
0x10a: {  	[hbm4b:s6+s3] =	stream.indirect_vreg.scatter [tilespmem:s30], [sflag:$0x1], $0x80, v3, vm0, $0xb8;
	[tilespmem:$0x18180] =	vst v63  }
0x10b: {  	_ = 	snop  }
0x10c: {  	[hbm4b:s7+s3] =	stream.indirect_vreg.scatter [tilespmem:s31], [sflag:$0x1], $0x80, v3, vm0, $0xb8;
	[tilespmem:$0x18180] =	vst v63  }
0x10d: {  	_ = 	snop  }
0x10e: {  	[hbm4b:s8+s3] =	stream.indirect_vreg.scatter [tilespmem:s1], [sflag:$0x1], $0x80, v3, vm0, $0xb8;
	[tilespmem:$0x18180] =	vst v63  }
0x10f: {  	_ =	swait.ge [sflag:s24], $0x4000  }
0x110: {  	[sflag:s24] =	ssyncset.done $0x0  }
0x111: {  	[sflag:s24] =	ssyncadd.s32 $0xFFFFC000  }
0x112: {  	v3 =	vld [tilespmem:$0x10010];
	_ =	sdelay $0x4  }
0x113: {  	v52 =	vshll.u32 v3, $0x3  }
0x114: {  	v3 =	vand.u32 $0x7, v3;
	v4 =	vand.u32 $0xFFFFFFC0, v52  }
0x115: {  	v3 =	vor.u32 v3, v4  }
0x116: {  	v4 =	vperm.xlane v3, v0;
	_ =	sdelay $0x1  }
0x117: {  	v4 =	vadd.s32 v1, v4;
	_ =	sdelay $0x4  }
0x118: {  	[hbm4b:s2+s3] =	stream.indirect_vreg.scatter [tilespmem:s15], [sflag:$0x1], $0x80, v4, vm0, $0xb8;
	[tilespmem:$0x18180] =	vst v63  }
0x119: {  	v3 =	vperm.xlane v3, v2  }
0x11a: {  	[hbm4b:s6+s3] =	stream.indirect_vreg.scatter [tilespmem:s25], [sflag:$0x1], $0x80, v4, vm0, $0xb8;
	[tilespmem:$0x18180] =	vst v63  }
0x11b: {  	v3 =	vadd.s32 v1, v3  }
0x11c: {  	[hbm4b:s7+s3] =	stream.indirect_vreg.scatter [tilespmem:s26], [sflag:$0x1], $0x80, v4, vm0, $0xb8;
	[tilespmem:$0x18180] =	vst v63  }
0x11d: {  	_ = 	snop  }
0x11e: {  	[hbm4b:s8+s3] =	stream.indirect_vreg.scatter [tilespmem:s28], [sflag:$0x1], $0x80, v4, vm0, $0xb8;
	[tilespmem:$0x18180] =	vst v63  }
0x11f: {  	_ = 	snop  }
0x120: {  	[hbm4b:s2+s3] =	stream.indirect_vreg.scatter [tilespmem:s29], [sflag:$0x1], $0x80, v3, vm0, $0xb8;
	[tilespmem:$0x18180] =	vst v63  }
0x121: {  	_ = 	snop  }
0x122: {  	[hbm4b:s6+s3] =	stream.indirect_vreg.scatter [tilespmem:s30], [sflag:$0x1], $0x80, v3, vm0, $0xb8;
	[tilespmem:$0x18180] =	vst v63  }
0x123: {  	_ = 	snop  }
0x124: {  	[hbm4b:s7+s3] =	stream.indirect_vreg.scatter [tilespmem:s31], [sflag:$0x1], $0x80, v3, vm0, $0xb8;
	[tilespmem:$0x18180] =	vst v63  }
0x125: {  	_ = 	snop  }
0x126: {  	[hbm4b:s8+s3] =	stream.indirect_vreg.scatter [tilespmem:s1], [sflag:$0x1], $0x80, v3, vm0, $0xb8;
	[tilespmem:$0x18180] =	vst v63  }
0x127: {  	_ =	swait.ge [sflag:s24], $0x4000  }
0x128: {  	[sflag:s24] =	ssyncset.done $0x0  }
0x129: {  	[sflag:s24] =	ssyncadd.s32 $0xFFFFC000  }
0x12a: {  	v3 =	vld [tilespmem:$0x10020];
	_ =	sdelay $0x4  }
0x12b: {  	v53 =	vshll.u32 v3, $0x3  }
0x12c: {  	v3 =	vand.u32 $0x7, v3;
	v4 =	vand.u32 $0xFFFFFFC0, v53  }
0x12d: {  	v3 =	vor.u32 v3, v4  }
0x12e: {  	v4 =	vperm.xlane v3, v0;
	_ =	sdelay $0x1  }
0x12f: {  	v4 =	vadd.s32 v1, v4;
	_ =	sdelay $0x4  }
0x130: {  	[hbm4b:s2+s3] =	stream.indirect_vreg.scatter [tilespmem:s15], [sflag:$0x1], $0x80, v4, vm0, $0xb8;
	[tilespmem:$0x18180] =	vst v63  }
0x131: {  	v3 =	vperm.xlane v3, v2  }
0x132: {  	[hbm4b:s6+s3] =	stream.indirect_vreg.scatter [tilespmem:s25], [sflag:$0x1], $0x80, v4, vm0, $0xb8;
	[tilespmem:$0x18180] =	vst v63  }
0x133: {  	v3 =	vadd.s32 v1, v3  }
0x134: {  	[hbm4b:s7+s3] =	stream.indirect_vreg.scatter [tilespmem:s26], [sflag:$0x1], $0x80, v4, vm0, $0xb8;
	[tilespmem:$0x18180] =	vst v63  }
0x135: {  	_ = 	snop  }
0x136: {  	[hbm4b:s8+s3] =	stream.indirect_vreg.scatter [tilespmem:s28], [sflag:$0x1], $0x80, v4, vm0, $0xb8;
	[tilespmem:$0x18180] =	vst v63  }
0x137: {  	_ = 	snop  }
0x138: {  	[hbm4b:s2+s3] =	stream.indirect_vreg.scatter [tilespmem:s29], [sflag:$0x1], $0x80, v3, vm0, $0xb8;
	[tilespmem:$0x18180] =	vst v63  }
0x139: {  	_ = 	snop  }
0x13a: {  	[hbm4b:s6+s3] =	stream.indirect_vreg.scatter [tilespmem:s30], [sflag:$0x1], $0x80, v3, vm0, $0xb8;
	[tilespmem:$0x18180] =	vst v63  }
0x13b: {  	_ = 	snop  }
0x13c: {  	[hbm4b:s7+s3] =	stream.indirect_vreg.scatter [tilespmem:s31], [sflag:$0x1], $0x80, v3, vm0, $0xb8;
	[tilespmem:$0x18180] =	vst v63  }
0x13d: {  	_ = 	snop  }
0x13e: {  	[hbm4b:s8+s3] =	stream.indirect_vreg.scatter [tilespmem:s1], [sflag:$0x1], $0x80, v3, vm0, $0xb8;
	[tilespmem:$0x18180] =	vst v63  }
0x13f: {  	_ =	swait.ge [sflag:s24], $0x4000  }
0x140: {  	[sflag:s24] =	ssyncset.done $0x0  }
0x141: {  	[sflag:s24] =	ssyncadd.s32 $0xFFFFC000  }
0x142: {  	v3 =	vld [tilespmem:$0x10030];
	_ =	sdelay $0x4  }
0x143: {  	v54 =	vshll.u32 v3, $0x3  }
0x144: {  	v3 =	vand.u32 $0x7, v3;
	v4 =	vand.u32 $0xFFFFFFC0, v54  }
0x145: {  	v3 =	vor.u32 v3, v4  }
0x146: {  	v4 =	vperm.xlane v3, v0;
	_ =	sdelay $0x1  }
0x147: {  	v4 =	vadd.s32 v1, v4;
	_ =	sdelay $0x4  }
0x148: {  	[hbm4b:s2+s3] =	stream.indirect_vreg.scatter [tilespmem:s15], [sflag:$0x1], $0x80, v4, vm0, $0xb8;
	[tilespmem:$0x18180] =	vst v63  }
0x149: {  	v3 =	vperm.xlane v3, v2  }
0x14a: {  	[hbm4b:s6+s3] =	stream.indirect_vreg.scatter [tilespmem:s25], [sflag:$0x1], $0x80, v4, vm0, $0xb8;
	[tilespmem:$0x18180] =	vst v63  }
0x14b: {  	v3 =	vadd.s32 v1, v3  }
0x14c: {  	[hbm4b:s7+s3] =	stream.indirect_vreg.scatter [tilespmem:s26], [sflag:$0x1], $0x80, v4, vm0, $0xb8;
	[tilespmem:$0x18180] =	vst v63  }
0x14d: {  	_ = 	snop  }
0x14e: {  	[hbm4b:s8+s3] =	stream.indirect_vreg.scatter [tilespmem:s28], [sflag:$0x1], $0x80, v4, vm0, $0xb8;
	[tilespmem:$0x18180] =	vst v63  }
0x14f: {  	_ = 	snop  }
0x150: {  	[hbm4b:s2+s3] =	stream.indirect_vreg.scatter [tilespmem:s29], [sflag:$0x1], $0x80, v3, vm0, $0xb8;
	[tilespmem:$0x18180] =	vst v63  }
0x151: {  	_ = 	snop  }
0x152: {  	[hbm4b:s6+s3] =	stream.indirect_vreg.scatter [tilespmem:s30], [sflag:$0x1], $0x80, v3, vm0, $0xb8;
	[tilespmem:$0x18180] =	vst v63  }
0x153: {  	_ = 	snop  }
0x154: {  	[hbm4b:s7+s3] =	stream.indirect_vreg.scatter [tilespmem:s31], [sflag:$0x1], $0x80, v3, vm0, $0xb8;
	[tilespmem:$0x18180] =	vst v63  }
0x155: {  	_ = 	snop  }
0x156: {  	[hbm4b:s8+s3] =	stream.indirect_vreg.scatter [tilespmem:s1], [sflag:$0x1], $0x80, v3, vm0, $0xb8;
	[tilespmem:$0x18180] =	vst v63  }
0x157: {  	_ =	swait.ge [sflag:s24], $0x4000  }
0x158: {  	[sflag:s24] =	ssyncset.done $0x0  }
0x159: {  	[sflag:s24] =	ssyncadd.s32 $0xFFFFC000  }
0x15a: {  	v3 =	vld [tilespmem:$0x10040];
	_ =	sdelay $0x4  }
0x15b: {  	v55 =	vshll.u32 v3, $0x3  }
0x15c: {  	v3 =	vand.u32 $0x7, v3;
	v4 =	vand.u32 $0xFFFFFFC0, v55  }
0x15d: {  	v3 =	vor.u32 v3, v4  }
0x15e: {  	v4 =	vperm.xlane v3, v0;
	_ =	sdelay $0x1  }
0x15f: {  	v4 =	vadd.s32 v1, v4;
	_ =	sdelay $0x4  }
0x160: {  	[hbm4b:s2+s3] =	stream.indirect_vreg.scatter [tilespmem:s15], [sflag:$0x1], $0x80, v4, vm0, $0xb8;
	[tilespmem:$0x18180] =	vst v63  }
0x161: {  	v3 =	vperm.xlane v3, v2  }
0x162: {  	[hbm4b:s6+s3] =	stream.indirect_vreg.scatter [tilespmem:s25], [sflag:$0x1], $0x80, v4, vm0, $0xb8;
	[tilespmem:$0x18180] =	vst v63  }
0x163: {  	v3 =	vadd.s32 v1, v3  }
0x164: {  	[hbm4b:s7+s3] =	stream.indirect_vreg.scatter [tilespmem:s26], [sflag:$0x1], $0x80, v4, vm0, $0xb8;
	[tilespmem:$0x18180] =	vst v63  }
0x165: {  	_ = 	snop  }
0x166: {  	[hbm4b:s8+s3] =	stream.indirect_vreg.scatter [tilespmem:s28], [sflag:$0x1], $0x80, v4, vm0, $0xb8;
	[tilespmem:$0x18180] =	vst v63  }
0x167: {  	_ = 	snop  }
0x168: {  	[hbm4b:s2+s3] =	stream.indirect_vreg.scatter [tilespmem:s29], [sflag:$0x1], $0x80, v3, vm0, $0xb8;
	[tilespmem:$0x18180] =	vst v63  }
0x169: {  	_ = 	snop  }
0x16a: {  	[hbm4b:s6+s3] =	stream.indirect_vreg.scatter [tilespmem:s30], [sflag:$0x1], $0x80, v3, vm0, $0xb8;
	[tilespmem:$0x18180] =	vst v63  }
0x16b: {  	_ = 	snop  }
0x16c: {  	[hbm4b:s7+s3] =	stream.indirect_vreg.scatter [tilespmem:s31], [sflag:$0x1], $0x80, v3, vm0, $0xb8;
	[tilespmem:$0x18180] =	vst v63  }
0x16d: {  	_ = 	snop  }
0x16e: {  	[hbm4b:s8+s3] =	stream.indirect_vreg.scatter [tilespmem:s1], [sflag:$0x1], $0x80, v3, vm0, $0xb8;
	[tilespmem:$0x18180] =	vst v63  }
0x16f: {  	_ =	swait.ge [sflag:s24], $0x4000  }
0x170: {  	[sflag:s24] =	ssyncset.done $0x0  }
0x171: {  	[sflag:s24] =	ssyncadd.s32 $0xFFFFC000  }
0x172: {  	v3 =	vld [tilespmem:$0x10050];
	_ =	sdelay $0x4  }
0x173: {  	v56 =	vshll.u32 v3, $0x3  }
0x174: {  	v3 =	vand.u32 $0x7, v3;
	v4 =	vand.u32 $0xFFFFFFC0, v56  }
0x175: {  	v3 =	vor.u32 v3, v4  }
0x176: {  	v4 =	vperm.xlane v3, v0;
	_ =	sdelay $0x1  }
0x177: {  	v4 =	vadd.s32 v1, v4;
	_ =	sdelay $0x4  }
0x178: {  	[hbm4b:s2+s3] =	stream.indirect_vreg.scatter [tilespmem:s15], [sflag:$0x1], $0x80, v4, vm0, $0xb8;
	[tilespmem:$0x18180] =	vst v63  }
0x179: {  	v3 =	vperm.xlane v3, v2  }
0x17a: {  	[hbm4b:s6+s3] =	stream.indirect_vreg.scatter [tilespmem:s25], [sflag:$0x1], $0x80, v4, vm0, $0xb8;
	[tilespmem:$0x18180] =	vst v63  }
0x17b: {  	v3 =	vadd.s32 v1, v3  }
0x17c: {  	[hbm4b:s7+s3] =	stream.indirect_vreg.scatter [tilespmem:s26], [sflag:$0x1], $0x80, v4, vm0, $0xb8;
	[tilespmem:$0x18180] =	vst v63  }
0x17d: {  	_ = 	snop  }
0x17e: {  	[hbm4b:s8+s3] =	stream.indirect_vreg.scatter [tilespmem:s28], [sflag:$0x1], $0x80, v4, vm0, $0xb8;
	[tilespmem:$0x18180] =	vst v63  }
0x17f: {  	_ = 	snop  }
0x180: {  	[hbm4b:s2+s3] =	stream.indirect_vreg.scatter [tilespmem:s29], [sflag:$0x1], $0x80, v3, vm0, $0xb8;
	[tilespmem:$0x18180] =	vst v63  }
0x181: {  	_ = 	snop  }
0x182: {  	[hbm4b:s6+s3] =	stream.indirect_vreg.scatter [tilespmem:s30], [sflag:$0x1], $0x80, v3, vm0, $0xb8;
	[tilespmem:$0x18180] =	vst v63  }
0x183: {  	_ = 	snop  }
0x184: {  	[hbm4b:s7+s3] =	stream.indirect_vreg.scatter [tilespmem:s31], [sflag:$0x1], $0x80, v3, vm0, $0xb8;
	[tilespmem:$0x18180] =	vst v63  }
0x185: {  	_ = 	snop  }
0x186: {  	[hbm4b:s8+s3] =	stream.indirect_vreg.scatter [tilespmem:s1], [sflag:$0x1], $0x80, v3, vm0, $0xb8;
	[tilespmem:$0x18180] =	vst v63  }
0x187: {  	_ =	swait.ge [sflag:s24], $0x4000  }
0x188: {  	[sflag:s24] =	ssyncset.done $0x0  }
0x189: {  	[sflag:s24] =	ssyncadd.s32 $0xFFFFC000  }
0x18a: {  	v3 =	vld [tilespmem:$0x10060];
	_ =	sdelay $0x4  }
0x18b: {  	v57 =	vshll.u32 v3, $0x3  }
0x18c: {  	v3 =	vand.u32 $0x7, v3;
	v4 =	vand.u32 $0xFFFFFFC0, v57  }
0x18d: {  	v3 =	vor.u32 v3, v4  }
0x18e: {  	v4 =	vperm.xlane v3, v0;
	_ =	sdelay $0x1  }
0x18f: {  	v4 =	vadd.s32 v1, v4;
	_ =	sdelay $0x4  }
0x190: {  	[hbm4b:s2+s3] =	stream.indirect_vreg.scatter [tilespmem:s15], [sflag:$0x1], $0x80, v4, vm0, $0xb8;
	[tilespmem:$0x18180] =	vst v63  }
0x191: {  	v3 =	vperm.xlane v3, v2  }
0x192: {  	[hbm4b:s6+s3] =	stream.indirect_vreg.scatter [tilespmem:s25], [sflag:$0x1], $0x80, v4, vm0, $0xb8;
	[tilespmem:$0x18180] =	vst v63  }
0x193: {  	v3 =	vadd.s32 v1, v3  }
0x194: {  	[hbm4b:s7+s3] =	stream.indirect_vreg.scatter [tilespmem:s26], [sflag:$0x1], $0x80, v4, vm0, $0xb8;
	[tilespmem:$0x18180] =	vst v63  }
0x195: {  	_ = 	snop  }
0x196: {  	[hbm4b:s8+s3] =	stream.indirect_vreg.scatter [tilespmem:s28], [sflag:$0x1], $0x80, v4, vm0, $0xb8;
	[tilespmem:$0x18180] =	vst v63  }
0x197: {  	_ = 	snop  }
0x198: {  	[hbm4b:s2+s3] =	stream.indirect_vreg.scatter [tilespmem:s29], [sflag:$0x1], $0x80, v3, vm0, $0xb8;
	[tilespmem:$0x18180] =	vst v63  }
0x199: {  	_ = 	snop  }
0x19a: {  	[hbm4b:s6+s3] =	stream.indirect_vreg.scatter [tilespmem:s30], [sflag:$0x1], $0x80, v3, vm0, $0xb8;
	[tilespmem:$0x18180] =	vst v63  }
0x19b: {  	_ = 	snop  }
0x19c: {  	[hbm4b:s7+s3] =	stream.indirect_vreg.scatter [tilespmem:s31], [sflag:$0x1], $0x80, v3, vm0, $0xb8;
	[tilespmem:$0x18180] =	vst v63  }
0x19d: {  	_ = 	snop  }
0x19e: {  	[hbm4b:s8+s3] =	stream.indirect_vreg.scatter [tilespmem:s1], [sflag:$0x1], $0x80, v3, vm0, $0xb8;
	[tilespmem:$0x18180] =	vst v63  }
0x19f: {  	_ =	swait.ge [sflag:s24], $0x4000  }
0x1a0: {  	[sflag:s24] =	ssyncset.done $0x0  }
0x1a1: {  	[sflag:s24] =	ssyncadd.s32 $0xFFFFC000  }
0x1a2: {  	v3 =	vld [tilespmem:$0x10070];
	_ =	sdelay $0x4  }
0x1a3: {  	v58 =	vshll.u32 v3, $0x3  }
0x1a4: {  	v3 =	vand.u32 $0x7, v3;
	v4 =	vand.u32 $0xFFFFFFC0, v58  }
0x1a5: {  	v3 =	vor.u32 v3, v4  }
0x1a6: {  	v4 =	vperm.xlane v3, v0;
	_ =	sdelay $0x1  }
0x1a7: {  	v4 =	vadd.s32 v1, v4;
	_ =	sdelay $0x4  }
0x1a8: {  	[hbm4b:s2+s3] =	stream.indirect_vreg.scatter [tilespmem:s15], [sflag:$0x1], $0x80, v4, vm0, $0xb8;
	[tilespmem:$0x18180] =	vst v63  }
0x1a9: {  	v3 =	vperm.xlane v3, v2  }
0x1aa: {  	[hbm4b:s6+s3] =	stream.indirect_vreg.scatter [tilespmem:s25], [sflag:$0x1], $0x80, v4, vm0, $0xb8;
	[tilespmem:$0x18180] =	vst v63  }
0x1ab: {  	v3 =	vadd.s32 v1, v3  }
0x1ac: {  	[hbm4b:s7+s3] =	stream.indirect_vreg.scatter [tilespmem:s26], [sflag:$0x1], $0x80, v4, vm0, $0xb8;
	[tilespmem:$0x18180] =	vst v63  }
0x1ad: {  	_ = 	snop  }
0x1ae: {  	[hbm4b:s8+s3] =	stream.indirect_vreg.scatter [tilespmem:s28], [sflag:$0x1], $0x80, v4, vm0, $0xb8;
	[tilespmem:$0x18180] =	vst v63  }
0x1af: {  	_ = 	snop  }
0x1b0: {  	[hbm4b:s2+s3] =	stream.indirect_vreg.scatter [tilespmem:s29], [sflag:$0x1], $0x80, v3, vm0, $0xb8;
	[tilespmem:$0x18180] =	vst v63  }
0x1b1: {  	_ = 	snop  }
0x1b2: {  	[hbm4b:s6+s3] =	stream.indirect_vreg.scatter [tilespmem:s30], [sflag:$0x1], $0x80, v3, vm0, $0xb8;
	[tilespmem:$0x18180] =	vst v63  }
0x1b3: {  	_ = 	snop  }
0x1b4: {  	[hbm4b:s7+s3] =	stream.indirect_vreg.scatter [tilespmem:s31], [sflag:$0x1], $0x80, v3, vm0, $0xb8;
	[tilespmem:$0x18180] =	vst v63  }
0x1b5: {  	_ = 	snop  }
0x1b6: {  	[hbm4b:s8+s3] =	stream.indirect_vreg.scatter [tilespmem:s1], [sflag:$0x1], $0x80, v3, vm0, $0xb8;
	[tilespmem:$0x18180] =	vst v63  }
0x1b7: {  	_ =	swait.ge [sflag:s24], $0x4000  }
0x1b8: {  	[sflag:s24] =	ssyncset.done $0x0  }
0x1b9: {  	[sflag:s24] =	ssyncadd.s32 $0xFFFFC000  }
0x1ba: {  	v3 =	vld [tilespmem:$0x10080];
	_ =	sdelay $0x4  }
0x1bb: {  	v59 =	vshll.u32 v3, $0x3  }
0x1bc: {  	v3 =	vand.u32 $0x7, v3;
	v4 =	vand.u32 $0xFFFFFFC0, v59  }
0x1bd: {  	v3 =	vor.u32 v3, v4  }
0x1be: {  	v4 =	vperm.xlane v3, v0;
	_ =	sdelay $0x1  }
0x1bf: {  	v4 =	vadd.s32 v1, v4;
	_ =	sdelay $0x4  }
0x1c0: {  	[hbm4b:s2+s3] =	stream.indirect_vreg.scatter [tilespmem:s15], [sflag:$0x1], $0x80, v4, vm0, $0xb8;
	[tilespmem:$0x18180] =	vst v63  }
0x1c1: {  	v3 =	vperm.xlane v3, v2  }
0x1c2: {  	[hbm4b:s6+s3] =	stream.indirect_vreg.scatter [tilespmem:s25], [sflag:$0x1], $0x80, v4, vm0, $0xb8;
	[tilespmem:$0x18180] =	vst v63  }
0x1c3: {  	v3 =	vadd.s32 v1, v3  }
0x1c4: {  	[hbm4b:s7+s3] =	stream.indirect_vreg.scatter [tilespmem:s26], [sflag:$0x1], $0x80, v4, vm0, $0xb8;
	[tilespmem:$0x18180] =	vst v63  }
0x1c5: {  	_ = 	snop  }
0x1c6: {  	[hbm4b:s8+s3] =	stream.indirect_vreg.scatter [tilespmem:s28], [sflag:$0x1], $0x80, v4, vm0, $0xb8;
	[tilespmem:$0x18180] =	vst v63  }
0x1c7: {  	_ = 	snop  }
0x1c8: {  	[hbm4b:s2+s3] =	stream.indirect_vreg.scatter [tilespmem:s29], [sflag:$0x1], $0x80, v3, vm0, $0xb8;
	[tilespmem:$0x18180] =	vst v63  }
0x1c9: {  	_ = 	snop  }
0x1ca: {  	[hbm4b:s6+s3] =	stream.indirect_vreg.scatter [tilespmem:s30], [sflag:$0x1], $0x80, v3, vm0, $0xb8;
	[tilespmem:$0x18180] =	vst v63  }
0x1cb: {  	_ = 	snop  }
0x1cc: {  	[hbm4b:s7+s3] =	stream.indirect_vreg.scatter [tilespmem:s31], [sflag:$0x1], $0x80, v3, vm0, $0xb8;
	[tilespmem:$0x18180] =	vst v63  }
0x1cd: {  	_ = 	snop  }
0x1ce: {  	[hbm4b:s8+s3] =	stream.indirect_vreg.scatter [tilespmem:s1], [sflag:$0x1], $0x80, v3, vm0, $0xb8;
	[tilespmem:$0x18180] =	vst v63  }
0x1cf: {  	_ =	swait.ge [sflag:s24], $0x4000  }
0x1d0: {  	[sflag:s24] =	ssyncset.done $0x0  }
0x1d1: {  	[sflag:s24] =	ssyncadd.s32 $0xFFFFC000  }
0x1d2: {  	v3 =	vld [tilespmem:$0x10090];
	_ =	sdelay $0x4  }
0x1d3: {  	v60 =	vshll.u32 v3, $0x3  }
0x1d4: {  	v3 =	vand.u32 $0x7, v3;
	v4 =	vand.u32 $0xFFFFFFC0, v60  }
0x1d5: {  	v3 =	vor.u32 v3, v4  }
0x1d6: {  	v4 =	vperm.xlane v3, v0;
	_ =	sdelay $0x1  }
0x1d7: {  	v4 =	vadd.s32 v1, v4;
	_ =	sdelay $0x4  }
0x1d8: {  	[hbm4b:s2+s3] =	stream.indirect_vreg.scatter [tilespmem:s15], [sflag:$0x1], $0x80, v4, vm0, $0xb8;
	[tilespmem:$0x18180] =	vst v63  }
0x1d9: {  	v3 =	vperm.xlane v3, v2  }
0x1da: {  	[hbm4b:s6+s3] =	stream.indirect_vreg.scatter [tilespmem:s25], [sflag:$0x1], $0x80, v4, vm0, $0xb8;
	[tilespmem:$0x18180] =	vst v63  }
0x1db: {  	v3 =	vadd.s32 v1, v3  }
0x1dc: {  	[hbm4b:s7+s3] =	stream.indirect_vreg.scatter [tilespmem:s26], [sflag:$0x1], $0x80, v4, vm0, $0xb8;
	[tilespmem:$0x18180] =	vst v63  }
0x1dd: {  	_ = 	snop  }
0x1de: {  	[hbm4b:s8+s3] =	stream.indirect_vreg.scatter [tilespmem:s28], [sflag:$0x1], $0x80, v4, vm0, $0xb8;
	[tilespmem:$0x18180] =	vst v63  }
0x1df: {  	_ = 	snop  }
0x1e0: {  	[hbm4b:s2+s3] =	stream.indirect_vreg.scatter [tilespmem:s29], [sflag:$0x1], $0x80, v3, vm0, $0xb8;
	[tilespmem:$0x18180] =	vst v63  }
0x1e1: {  	_ = 	snop  }
0x1e2: {  	[hbm4b:s6+s3] =	stream.indirect_vreg.scatter [tilespmem:s30], [sflag:$0x1], $0x80, v3, vm0, $0xb8;
	[tilespmem:$0x18180] =	vst v63  }
0x1e3: {  	_ = 	snop  }
0x1e4: {  	[hbm4b:s7+s3] =	stream.indirect_vreg.scatter [tilespmem:s31], [sflag:$0x1], $0x80, v3, vm0, $0xb8;
	[tilespmem:$0x18180] =	vst v63  }
0x1e5: {  	_ = 	snop  }
0x1e6: {  	[hbm4b:s8+s3] =	stream.indirect_vreg.scatter [tilespmem:s1], [sflag:$0x1], $0x80, v3, vm0, $0xb8;
	[tilespmem:$0x18180] =	vst v63  }
0x1e7: {  	_ =	swait.ge [sflag:s24], $0x4000  }
0x1e8: {  	[sflag:s24] =	ssyncset.done $0x0  }
0x1e9: {  	[sflag:s24] =	ssyncadd.s32 $0xFFFFC000  }
0x1ea: {  	v3 =	vld [tilespmem:$0x100A0];
	_ =	sdelay $0x4  }
0x1eb: {  	v61 =	vshll.u32 v3, $0x3  }
0x1ec: {  	v3 =	vand.u32 $0x7, v3;
	v4 =	vand.u32 $0xFFFFFFC0, v61  }
0x1ed: {  	v3 =	vor.u32 v3, v4  }
0x1ee: {  	v4 =	vperm.xlane v3, v0;
	_ =	sdelay $0x1  }
0x1ef: {  	v4 =	vadd.s32 v1, v4;
	_ =	sdelay $0x4  }
0x1f0: {  	[hbm4b:s2+s3] =	stream.indirect_vreg.scatter [tilespmem:s15], [sflag:$0x1], $0x80, v4, vm0, $0xb8;
	[tilespmem:$0x18180] =	vst v63  }
0x1f1: {  	v3 =	vperm.xlane v3, v2  }
0x1f2: {  	[hbm4b:s6+s3] =	stream.indirect_vreg.scatter [tilespmem:s25], [sflag:$0x1], $0x80, v4, vm0, $0xb8;
	[tilespmem:$0x18180] =	vst v63  }
0x1f3: {  	v3 =	vadd.s32 v1, v3  }
0x1f4: {  	[hbm4b:s7+s3] =	stream.indirect_vreg.scatter [tilespmem:s26], [sflag:$0x1], $0x80, v4, vm0, $0xb8;
	[tilespmem:$0x18180] =	vst v63  }
0x1f5: {  	_ = 	snop  }
0x1f6: {  	[hbm4b:s8+s3] =	stream.indirect_vreg.scatter [tilespmem:s28], [sflag:$0x1], $0x80, v4, vm0, $0xb8;
	[tilespmem:$0x18180] =	vst v63  }
0x1f7: {  	_ = 	snop  }
0x1f8: {  	[hbm4b:s2+s3] =	stream.indirect_vreg.scatter [tilespmem:s29], [sflag:$0x1], $0x80, v3, vm0, $0xb8;
	[tilespmem:$0x18180] =	vst v63  }
0x1f9: {  	_ = 	snop  }
0x1fa: {  	[hbm4b:s6+s3] =	stream.indirect_vreg.scatter [tilespmem:s30], [sflag:$0x1], $0x80, v3, vm0, $0xb8;
	[tilespmem:$0x18180] =	vst v63  }
0x1fb: {  	_ = 	snop  }
0x1fc: {  	[hbm4b:s7+s3] =	stream.indirect_vreg.scatter [tilespmem:s31], [sflag:$0x1], $0x80, v3, vm0, $0xb8;
	[tilespmem:$0x18180] =	vst v63  }
0x1fd: {  	_ = 	snop  }
0x1fe: {  	[hbm4b:s8+s3] =	stream.indirect_vreg.scatter [tilespmem:s1], [sflag:$0x1], $0x80, v3, vm0, $0xb8;
	[tilespmem:$0x18180] =	vst v63  }
0x1ff: {  	_ =	swait.ge [sflag:s24], $0x4000  }
0x200: {  	[sflag:s24] =	ssyncset.done $0x0  }
0x201: {  	[sflag:s24] =	ssyncadd.s32 $0xFFFFC000  }
0x202: {  	v3 =	vld [tilespmem:$0x100B0];
	_ =	sdelay $0x4  }
0x203: {  	v62 =	vshll.u32 v3, $0x3  }
0x204: {  	v3 =	vand.u32 $0x7, v3;
	v4 =	vand.u32 $0xFFFFFFC0, v62  }
0x205: {  	v3 =	vor.u32 v3, v4  }
0x206: {  	v4 =	vperm.xlane v3, v0;
	_ =	sdelay $0x1  }
0x207: {  	v4 =	vadd.s32 v1, v4;
	_ =	sdelay $0x4  }
0x208: {  	[hbm4b:s2+s3] =	stream.indirect_vreg.scatter [tilespmem:s15], [sflag:$0x1], $0x80, v4, vm0, $0xb8;
	[tilespmem:$0x18180] =	vst v63  }
0x209: {  	v3 =	vperm.xlane v3, v2  }
0x20a: {  	[hbm4b:s6+s3] =	stream.indirect_vreg.scatter [tilespmem:s25], [sflag:$0x1], $0x80, v4, vm0, $0xb8;
	[tilespmem:$0x18180] =	vst v63  }
0x20b: {  	v3 =	vadd.s32 v1, v3  }
0x20c: {  	[hbm4b:s7+s3] =	stream.indirect_vreg.scatter [tilespmem:s26], [sflag:$0x1], $0x80, v4, vm0, $0xb8;
	[tilespmem:$0x18180] =	vst v63  }
0x20d: {  	_ = 	snop  }
0x20e: {  	[hbm4b:s8+s3] =	stream.indirect_vreg.scatter [tilespmem:s28], [sflag:$0x1], $0x80, v4, vm0, $0xb8;
	[tilespmem:$0x18180] =	vst v63  }
0x20f: {  	_ = 	snop  }
0x210: {  	[hbm4b:s2+s3] =	stream.indirect_vreg.scatter [tilespmem:s29], [sflag:$0x1], $0x80, v3, vm0, $0xb8;
	[tilespmem:$0x18180] =	vst v63  }
0x211: {  	_ = 	snop  }
0x212: {  	[hbm4b:s6+s3] =	stream.indirect_vreg.scatter [tilespmem:s30], [sflag:$0x1], $0x80, v3, vm0, $0xb8;
	[tilespmem:$0x18180] =	vst v63  }
0x213: {  	_ = 	snop  }
0x214: {  	[hbm4b:s7+s3] =	stream.indirect_vreg.scatter [tilespmem:s31], [sflag:$0x1], $0x80, v3, vm0, $0xb8;
	[tilespmem:$0x18180] =	vst v63  }
0x215: {  	_ = 	snop  }
0x216: {  	[hbm4b:s8+s3] =	stream.indirect_vreg.scatter [tilespmem:s1], [sflag:$0x1], $0x80, v3, vm0, $0xb8;
	[tilespmem:$0x18180] =	vst v63  }
0x217: {  	_ =	swait.ge [sflag:s24], $0x4000  }
0x218: {  	[sflag:s24] =	ssyncset.done $0x0  }
0x219: {  	[sflag:s24] =	ssyncadd.s32 $0xFFFFC000  }
0x21a: {  	v3 =	vld [tilespmem:$0x100C0];
	_ =	sdelay $0x4  }
0x21b: {  	v63 =	vshll.u32 v3, $0x3  }
0x21c: {  	v3 =	vand.u32 $0x7, v3;
	v4 =	vand.u32 $0xFFFFFFC0, v63  }
0x21d: {  	v3 =	vor.u32 v3, v4  }
0x21e: {  	v4 =	vperm.xlane v3, v0;
	_ =	sdelay $0x1  }
0x21f: {  	v4 =	vadd.s32 v1, v4;
	_ =	sdelay $0x4  }
0x220: {  	[hbm4b:s2+s3] =	stream.indirect_vreg.scatter [tilespmem:s15], [sflag:$0x1], $0x80, v4, vm0, $0xb8;
	[tilespmem:$0x18180] =	vst v63  }
0x221: {  	v3 =	vperm.xlane v3, v2  }
0x222: {  	[hbm4b:s6+s3] =	stream.indirect_vreg.scatter [tilespmem:s25], [sflag:$0x1], $0x80, v4, vm0, $0xb8;
	[tilespmem:$0x18180] =	vst v63  }
0x223: {  	v3 =	vadd.s32 v1, v3  }
0x224: {  	[hbm4b:s7+s3] =	stream.indirect_vreg.scatter [tilespmem:s26], [sflag:$0x1], $0x80, v4, vm0, $0xb8;
	[tilespmem:$0x18180] =	vst v63  }
0x225: {  	_ = 	snop  }
0x226: {  	[hbm4b:s8+s3] =	stream.indirect_vreg.scatter [tilespmem:s28], [sflag:$0x1], $0x80, v4, vm0, $0xb8;
	[tilespmem:$0x18180] =	vst v63  }
0x227: {  	_ = 	snop  }
0x228: {  	[hbm4b:s2+s3] =	stream.indirect_vreg.scatter [tilespmem:s29], [sflag:$0x1], $0x80, v3, vm0, $0xb8;
	[tilespmem:$0x18180] =	vst v63  }
0x229: {  	_ = 	snop  }
0x22a: {  	[hbm4b:s6+s3] =	stream.indirect_vreg.scatter [tilespmem:s30], [sflag:$0x1], $0x80, v3, vm0, $0xb8;
	[tilespmem:$0x18180] =	vst v63  }
0x22b: {  	p0 =	sne.s32 s9, $0x1  }
0x22c: {  	[hbm4b:s7+s3] =	stream.indirect_vreg.scatter [tilespmem:s31], [sflag:$0x1], $0x80, v3, vm0, $0xb8;
	[tilespmem:$0x18180] =	vst v63  }
.Ltmp0:
0x22d: {  	_ = 	snop;
	(pc) =	sbr.rel @p0 .LBB2_1-.Ltmp0, $4  }
0x22e: {  	[hbm4b:s8+s3] =	stream.indirect_vreg.scatter [tilespmem:s1], [sflag:$0x1], $0x80, v3, vm0, $0xb8;
	[tilespmem:$0x18180] =	vst v63  }
0x22f: {  	_ =	swait.ge [sflag:s24], $0x4000  }
0x230: {  	[sflag:s24] =	ssyncset.done $0x0  }
0x231: {  	s9 =	sadd.s32 $0xFFFFFFFF, s9;
	[sflag:s24] =	ssyncadd.s32 $0xFFFFC000  }
0x232: {  	_ =	sfence.sel $0x180000  }
0x233: {  	[bflag:$0x0] =	sbarrier.arrive $0xFFFF  }
0x234: {  	_ =	strace $0x90000047  }
0x235: {  	s0 =	stileid.u32;
	[bflag:$0x2] =	sbarrier.arrive $0xFFFF  }
0x236: {  	p0 =	sne.s32 s0, $0x0;
	s0 =	rddreg [dreg:$0x4]  }
0x237: {  	s0 =	sadd.s32 @!p0 $0x100000, s0  }
0x238: {  	[sflag:s0] =	ssyncadd.tile.s32 @!p0 $0x1;
	_ =	shalt  }
.Lfunc_end2:
_tile_overlayer_lowered:
.L_overlay_start_2:
0x239: {  	(tag) =	ssettag $0x2  }
0x23a: {  	s0 =	rddreg [dreg:$0x0];
	s2 =	stileid.u32  }
0x23b: {  	s1 =	rddreg [dreg:$0x1];
	p0 =	sne.s32 s2, $0x0  }
0x23c: {  	s3 =	rddreg [dreg:$0x2];
	[bflag:$0x3] =	sbarrier.arrive $0xFFFF;
	s2 =	simm.s32 @!p0 $0x1C02  }
0x23d: {  	[timem:s3], [sflag:s2] =	dma.local @!p0 [hbm:s0], s1  }
0x23e: {  	s0 =	simm.s32 @!p0 $0x2  }
0x23f: {  	_ =	swait.ge @!p0 [sflag:s0], s1  }
0x240: {  	s1 =	ssub.s32 @!p0 $0x0, s1;
	[sflag:s0] =	ssyncset.done @!p0 $0x0  }
0x241: {  	[sflag:s0] =	ssyncadd.s32 @!p0 s1  }
0x242: {  	[bflag:$0x3] =	sbarrier.arrive $0xFFFF  }
0x243: {  	_ =	shalt  }

</sc_bundles>
